<compile_context>
chip_gen: v7x
topology: tpu7x:2x2x1
jax: 0.10.2.dev20260603
libtpu: 0.0.44.dev20260713+nightly
codegen_flags: <defaults>
</compile_context>

<pallas_src>
import functools

import jax
import jax.numpy as jnp
from jax import lax
from jax.experimental import pallas as pl
from jax.experimental.pallas import tpu as pltpu
from jax.experimental.pallas import tpu_sc as plsc

_NC = 2
_NS = 16
_G = 64

_CHUNK = 80
_NBUF = 4
_EBLK = 4000


def _sc_aggregate(x, src_p, dst_p, zeros):
    n, d = x.shape
    nw = _NC * _NS
    e_per_w = src_p.shape[0] // nw
    n_chunks = e_per_w // _CHUNK
    np_ = zeros.shape[0]
    rows_per_sub = np_ // _NS

    mesh = plsc.VectorSubcoreMesh(
        core_axis_name="c", subcore_axis_name="s",
        num_cores=_NC, num_subcores=_NS)

    kk = _NBUF
    n_groups = n_chunks // kk

    @functools.partial(
        pl.kernel,
        out_type=jax.ShapeDtypeStruct((nw * rows_per_sub, d), jnp.float32),
        mesh=mesh,
        scratch_types=(
            [pltpu.VMEM((_CHUNK,), jnp.int32) for _ in range(kk)]
            + [pltpu.VMEM((_CHUNK, d), jnp.float32) for _ in range(kk)]
            + [pltpu.VMEM((_CHUNK,), jnp.int32) for _ in range(kk)]
            + [pltpu.VMEM_SHARED((np_, d), jnp.float32),
               pltpu.SemaphoreType.DMA,
               pltpu.SemaphoreType.DMA,
               pltpu.SemaphoreType.DMA]
        ),
    )
    def k(x_hbm, src_hbm, dst_hbm, zeros_hbm, out_part, *scr):
        sidx = scr[:kk]
        rows = scr[kk:2 * kk]
        didx = scr[2 * kk:3 * kk]
        acc, isem, gsem, ssem = scr[3 * kk:]
        cid = lax.axis_index("c")
        sid = lax.axis_index("s")
        w = cid * _NS + sid
        r0 = sid * rows_per_sub
        pltpu.sync_copy(zeros_hbm.at[pl.ds(r0, rows_per_sub)],
                        acc.at[pl.ds(r0, rows_per_sub)])
        plsc.subcore_barrier()

        base_w = w * e_per_w

        def fire_idx(g):
            dsc = []
            for b in range(kk):
                base = base_w + (g * kk + b) * _CHUNK
                dsc.append(pltpu.async_copy(
                    src_hbm.at[pl.ds(base, _CHUNK)], sidx[b], isem))
                dsc.append(pltpu.async_copy(
                    dst_hbm.at[pl.ds(base, _CHUNK)], didx[b], isem))
            return dsc

        for ds_ in fire_idx(0):
            ds_.wait()

        def group(g, c):
            gdsc = [pltpu.async_copy(x_hbm.at[sidx[b]], rows[b], gsem)
                    for b in range(kk)]
            for ds_ in gdsc:
                ds_.wait()
            sdsc = [pltpu.async_copy(rows[b], acc.at[didx[b]],
                                     ssem, add=True)
                    for b in range(kk)]
            for ds_ in sdsc:
                ds_.wait()
            idsc = fire_idx(jnp.minimum(g + 1, n_groups - 1))
            for ds_ in idsc:
                ds_.wait()
            return c
        lax.fori_loop(0, n_groups, group, 0)

        plsc.subcore_barrier()
        pltpu.sync_copy(acc.at[pl.ds(r0, rows_per_sub)],
                        out_part.at[pl.ds(w * rows_per_sub, rows_per_sub)])

    return k(x, src_p, dst_p, zeros)


def _deg_body(dst_ref, out_ref, acc_ref):
    i = pl.program_id(0)
    nb = pl.num_programs(0)

    @pl.when(i == 0)
    def _():
        acc_ref[...] = jnp.zeros_like(acc_ref)

    ids = dst_ref[...]
    hi = ids // 128
    lo = ids - hi * 128
    nhi = acc_ref.shape[0]
    oh_hi = (hi == lax.broadcasted_iota(jnp.int32, (1, nhi), 1)).astype(jnp.float32)
    oh_lo = (lo == lax.broadcasted_iota(jnp.int32, (1, 128), 1)).astype(jnp.float32)
    acc_ref[...] += lax.dot_general(
        oh_hi, oh_lo, (((0,), (0,)), ((), ())),
        preferred_element_type=jnp.float32)

    @pl.when(i == nb - 1)
    def _():
        out_ref[...] = acc_ref[...]


def _tc_degree(dst2, np_):
    e = dst2.shape[0]
    nb = e // _EBLK
    nhi = np_ // 128
    return pl.pallas_call(
        _deg_body,
        grid=(nb,),
        in_specs=[pl.BlockSpec((_EBLK, 1), lambda i: (i, 0))],
        out_specs=pl.BlockSpec((nhi, 128), lambda i: (0, 0)),
        out_shape=jax.ShapeDtypeStruct((nhi, 128), jnp.float32),
        scratch_shapes=[pltpu.VMEM((nhi, 128), jnp.float32)],
    )(dst2)


def _tc_body(x_ref, p0_ref, p1_ref, deg_ref, b_ref,
             wl_ref, wr_ref, bl_ref, w2_ref, b2_ref, out_ref, pool_ref):
    i = pl.program_id(0)
    nb = pl.num_programs(0)

    @pl.when(i == 0)
    def _():
        pool_ref[...] = jnp.full_like(pool_ref, -1.0)

    summed = p0_ref[...] + p1_ref[...]
    mean = summed / jnp.maximum(deg_ref[...], 1.0)
    h = jnp.dot(mean, wl_ref[...], preferred_element_type=jnp.float32)
    h = h + jnp.dot(x_ref[...], wr_ref[...], preferred_element_type=jnp.float32)
    h = jnp.maximum(h + bl_ref[...], 0.0)

    batch = b_ref[...]
    glo = jnp.min(batch)
    ghi = jnp.max(batch)
    gids = lax.broadcasted_iota(jnp.int32, (_G, 1), 0)

    def body(g, c):
        m = batch == g
        contrib = jnp.max(jnp.where(m, h, -1.0), axis=0)
        upd = jnp.where(gids == g, contrib[None, :], -1.0)
        pool_ref[...] = jnp.maximum(pool_ref[...], upd)
        return c
    lax.fori_loop(glo, ghi + 1, body, 0)

    @pl.when(i == nb - 1)
    def _():
        pooled = jnp.maximum(pool_ref[...], 0.0)
        logits = jnp.dot(pooled, w2_ref[...],
                         preferred_element_type=jnp.float32) + b2_ref[...]
        mx = jnp.max(logits, axis=1, keepdims=True)
        lse = jnp.log(jnp.sum(jnp.exp(logits - mx), axis=1, keepdims=True)) + mx
        out_ref[...] = logits - lse


def _tc_head(x, p0, p1, deg, batch2, wlT, wrT, bl, w2T, b2):
    n, d = x.shape
    h = wlT.shape[1]
    c = w2T.shape[1]
    blk = 1000
    nb = n // blk
    return pl.pallas_call(
        _tc_body,
        grid=(nb,),
        in_specs=[
            pl.BlockSpec((blk, d), lambda i: (i, 0)),
            pl.BlockSpec((blk, d), lambda i: (i, 0)),
            pl.BlockSpec((blk, d), lambda i: (i, 0)),
            pl.BlockSpec((blk, 1), lambda i: (i, 0)),
            pl.BlockSpec((blk, 1), lambda i: (i, 0)),
            pl.BlockSpec((d, h), lambda i: (0, 0)),
            pl.BlockSpec((d, h), lambda i: (0, 0)),
            pl.BlockSpec((1, h), lambda i: (0, 0)),
            pl.BlockSpec((h, c), lambda i: (0, 0)),
            pl.BlockSpec((1, c), lambda i: (0, 0)),
        ],
        out_specs=pl.BlockSpec((_G, c), lambda i: (0, 0)),
        out_shape=jax.ShapeDtypeStruct((_G, c), jnp.float32),
        scratch_shapes=[pltpu.VMEM((_G, h), jnp.float32)],
    )(x, p0, p1, deg, batch2, wlT, wrT, bl, w2T, b2)


def kernel(x, edge_index, batch, W_l, b_l, W_r, W2, b2):
    n, d = x.shape
    h = W_l.shape[0]
    c = W2.shape[0]
    src = edge_index[0]
    dst = edge_index[1]
    e = src.shape[0]
    nw = _NC * _NS
    np_ = ((n + 127) // 128) * 128
    zeros = jnp.zeros((np_, d), jnp.float32)
    epw = e // nw
    grp = _CHUNK * _NBUF
    epw_p = ((epw + grp - 1) // grp) * grp
    src_p = jnp.concatenate(
        [src.reshape(nw, epw),
         jnp.zeros((nw, epw_p - epw), jnp.int32)], axis=1).reshape(-1)
    npad = epw_p - epw
    pad_rows = n + (jnp.arange(nw * npad, dtype=jnp.int32) % (np_ - n))
    dst_p = jnp.concatenate(
        [dst.reshape(nw, epw), pad_rows.reshape(nw, npad)],
        axis=1).reshape(-1)
    part = _sc_aggregate(x, src_p, dst_p, zeros)
    p = part.reshape(_NC, np_, d)[:, :n]
    deg2d = _tc_degree(dst.reshape(-1, 1), np_)
    deg = deg2d.reshape(np_, 1)[:n]
    return _tc_head(x, p[0], p[1], deg, batch.reshape(n, 1),
                    W_l.T, W_r.T, b_l.reshape(1, h), W2.T, b2.reshape(1, c))

# --- scband reference (transcript-rebuilt; emitter-appended) ---
"""Pipeline reference for scband-fake-news-graph-model-34144990003652 (READ-ONLY COPY).

The authoritative reference and input builder live on the scoring server;
editing this copy changes nothing except your own understanding.
"""

import jax, jax.numpy as jnp
import numpy as np

N = 10000   # nodes
E = 320000  # edges
D = 128     # num_features
H = 128     # nhid
C = 8       # num_classes
G = 64      # num graphs in batch


def setup_inputs(seed: int = 0) -> dict:
    key = jax.random.key(seed)
    ks = jax.random.split(key, 8)
    x = jax.random.normal(ks[0], (N, D), dtype=jnp.float32)
    edge_index = jax.random.randint(ks[1], (2, E), 0, N, dtype=jnp.int32)
    batch = jnp.sort(jax.random.randint(ks[2], (N,), 0, G, dtype=jnp.int32))
    # SAGEConv params: lin_l (applied to aggregated neighbors, has bias), lin_r (root, no bias)
    s1 = 1.0 / np.sqrt(D)
    W_l = jax.random.uniform(ks[3], (H, D), dtype=jnp.float32, minval=-s1, maxval=s1)
    b_l = jax.random.uniform(ks[4], (H,), dtype=jnp.float32, minval=-s1, maxval=s1)
    W_r = jax.random.uniform(ks[5], (H, D), dtype=jnp.float32, minval=-s1, maxval=s1)
    # lin2: nhid -> num_classes
    s2 = 1.0 / np.sqrt(H)
    W2 = jax.random.uniform(ks[6], (C, H), dtype=jnp.float32, minval=-s2, maxval=s2)
    b2 = jax.random.uniform(ks[7], (C,), dtype=jnp.float32, minval=-s2, maxval=s2)
    return {"x": x, "edge_index": edge_index, "batch": batch,
            "W_l": W_l, "b_l": b_l, "W_r": W_r, "W2": W2, "b2": b2}


def reference(x, edge_index, batch, W_l, b_l, W_r, W2, b2):
    src = edge_index[0]
    dst = edge_index[1]
    # SAGEConv with mean aggregation: out = lin_l(mean_{j in N(i)} x_j) + lin_r(x_i)
    msgs = jnp.take(x, src, axis=0)                       # gather [E, D]
    summed = jax.ops.segment_sum(msgs, dst, num_segments=N)
    deg = jax.ops.segment_sum(jnp.ones((E,), dtype=x.dtype), dst, num_segments=N)
    mean = summed / jnp.maximum(deg, 1.0)[:, None]
    h = mean @ W_l.T + b_l + x @ W_r.T
    h = jax.nn.relu(h)
    # global max pool over graphs
    pooled = jax.ops.segment_max(h, batch, num_segments=G)
    cnt = jax.ops.segment_sum(jnp.ones((N,), dtype=x.dtype), batch, num_segments=G)
    pooled = jnp.where(cnt[:, None] > 0, pooled, 0.0)
    logits = pooled @ W2.T + b2
    return jax.nn.log_softmax(logits, axis=-1)

if __name__ == "__main__":
    import jax
    _d = setup_inputs()
    print(jax.jit(kernel)(*tuple(_d.values())))

</pallas_src>

<mosaic_0001>
#map = affine_map<(d0, d1) -> (0, 0)>
#map1 = affine_map<(d0, d1) -> (0)>
module attributes {stable_mosaic.version = 14 : i64} {
  func.func @k(%arg0: i32, %arg1: i32, %arg2: memref<10000x128xf32, #tpu.memory_space<hbm>>, %arg3: memref<327680xi32, #tpu.memory_space<hbm>>, %arg4: memref<327680xi32, #tpu.memory_space<hbm>>, %arg5: memref<10112x128xf32, #tpu.memory_space<hbm>>, %arg6: memref<20224x128xf32, #tpu.memory_space<hbm>>, %arg7: memref<80xi32, #tpu.memory_space<vmem>>, %arg8: memref<80xi32, #tpu.memory_space<vmem>>, %arg9: memref<80xi32, #tpu.memory_space<vmem>>, %arg10: memref<80xi32, #tpu.memory_space<vmem>>, %arg11: memref<80x128xf32, #tpu.memory_space<vmem>>, %arg12: memref<80x128xf32, #tpu.memory_space<vmem>>, %arg13: memref<80x128xf32, #tpu.memory_space<vmem>>, %arg14: memref<80x128xf32, #tpu.memory_space<vmem>>, %arg15: memref<80xi32, #tpu.memory_space<vmem>>, %arg16: memref<80xi32, #tpu.memory_space<vmem>>, %arg17: memref<80xi32, #tpu.memory_space<vmem>>, %arg18: memref<80xi32, #tpu.memory_space<vmem>>, %arg19: memref<10112x128xf32, #tpu.memory_space<vmem_shared>>, %arg20: memref<!tpu.dma_semaphore, #tpu.memory_space<semaphore_mem>>, %arg21: memref<!tpu.dma_semaphore, #tpu.memory_space<semaphore_mem>>, %arg22: memref<!tpu.dma_semaphore, #tpu.memory_space<semaphore_mem>>) attributes {dimension_semantics = [#tpu.dimension_semantics<core_parallel>, #tpu.dimension_semantics<subcore_parallel>], iteration_bounds = array<i64: 2, 16>, scalar_prefetch = 0 : i64, scratch_operands = 16 : i64, tpu.core_type = #tpu.core_type<sc_vector_subcore>, window_params = [{transform_indices = #map}, {transform_indices = #map1}, {transform_indices = #map1}, {transform_indices = #map}, {transform_indices = #map}]} {
    %mul3A = arith.constant 16 : i32
    %mul3A_0 = arith.muli %arg0, %mul3A : i32
    %add3A = arith.addi %mul3A_0, %arg1 : i32
    %mul3A_1 = arith.constant 632 : i32
    %mul3A_2 = arith.muli %arg1, %mul3A_1 : i32
    "tpu.region"() ({
      %run_scoped3A = tpu.sem_alloc : memref<!tpu.dma_semaphore, #tpu.memory_space<semaphore_mem>>
      %dma_start3A_51 = arith.constant 0 : i32
      %dma_start3A_52 = tpu.memref_slice %arg19[%mul3A_2, %dma_start3A_51] : memref<10112x128xf32, #tpu.memory_space<vmem_shared>> -> memref<632x128xf32, #tpu.memory_space<vmem_shared>>
      %dma_start3A_53 = arith.constant 0 : i32
      %dma_start3A_54 = tpu.memref_slice %arg5[%mul3A_2, %dma_start3A_53] : memref<10112x128xf32, #tpu.memory_space<hbm>> -> memref<632x128xf32, #tpu.memory_space<hbm>>
      tpu.enqueue_dma source(%dma_start3A_54 : memref<632x128xf32, #tpu.memory_space<hbm>>) target(%dma_start3A_52 : memref<632x128xf32, #tpu.memory_space<vmem_shared>>) target_semaphore(%run_scoped3A : memref<!tpu.dma_semaphore, #tpu.memory_space<semaphore_mem>>)
      %dma_wait3A_55 = arith.constant 0 : i32
      %dma_wait3A_56 = tpu.memref_slice %arg19[%mul3A_2, %dma_wait3A_55] : memref<10112x128xf32, #tpu.memory_space<vmem_shared>> -> memref<632x128xf32, #tpu.memory_space<vmem_shared>>
      %dma_wait3A_57 = arith.constant 0 : i32
      %dma_wait3A_58 = tpu.memref_slice %arg5[%mul3A_2, %dma_wait3A_57] : memref<10112x128xf32, #tpu.memory_space<hbm>> -> memref<632x128xf32, #tpu.memory_space<hbm>>
      tpu.wait_dma2 semaphore(%run_scoped3A : memref<!tpu.dma_semaphore, #tpu.memory_space<semaphore_mem>>) src(%dma_wait3A_58 : memref<632x128xf32, #tpu.memory_space<hbm>>) dst(%dma_wait3A_56 : memref<632x128xf32, #tpu.memory_space<vmem_shared>>)
      tpu.yield
    }) : () -> ()
    %barrier3A = arith.constant 0 : index
    tpu.barrier barrier_id(%barrier3A)
    %mul3A_3 = arith.constant 10240 : i32
    %mul3A_4 = arith.muli %add3A, %mul3A_3 : i32
    %add3A_5 = arith.constant 0 : i32
    %add3A_6 = arith.addi %mul3A_4, %add3A_5 : i32
    %dma_start3A = tpu.memref_slice %arg3[%add3A_6] : memref<327680xi32, #tpu.memory_space<hbm>> -> memref<80xi32, #tpu.memory_space<hbm>>
    %dma_start3A_7 = tpu.memref_slice %arg3[%add3A_6] : memref<327680xi32, #tpu.memory_space<hbm>> -> memref<80xi32, #tpu.memory_space<hbm>>
    tpu.enqueue_dma source(%dma_start3A_7 : memref<80xi32, #tpu.memory_space<hbm>>) target(%arg7 : memref<80xi32, #tpu.memory_space<vmem>>) target_semaphore(%arg20 : memref<!tpu.dma_semaphore, #tpu.memory_space<semaphore_mem>>)
    %dma_start3A_8 = tpu.memref_slice %arg4[%add3A_6] : memref<327680xi32, #tpu.memory_space<hbm>> -> memref<80xi32, #tpu.memory_space<hbm>>
    %dma_start3A_9 = tpu.memref_slice %arg4[%add3A_6] : memref<327680xi32, #tpu.memory_space<hbm>> -> memref<80xi32, #tpu.memory_space<hbm>>
    tpu.enqueue_dma source(%dma_start3A_9 : memref<80xi32, #tpu.memory_space<hbm>>) target(%arg15 : memref<80xi32, #tpu.memory_space<vmem>>) target_semaphore(%arg20 : memref<!tpu.dma_semaphore, #tpu.memory_space<semaphore_mem>>)
    %add3A_10 = arith.constant 80 : i32
    %add3A_11 = arith.addi %mul3A_4, %add3A_10 : i32
    %dma_start3A_12 = tpu.memref_slice %arg3[%add3A_11] : memref<327680xi32, #tpu.memory_space<hbm>> -> memref<80xi32, #tpu.memory_space<hbm>>
    %dma_start3A_13 = tpu.memref_slice %arg3[%add3A_11] : memref<327680xi32, #tpu.memory_space<hbm>> -> memref<80xi32, #tpu.memory_space<hbm>>
    tpu.enqueue_dma source(%dma_start3A_13 : memref<80xi32, #tpu.memory_space<hbm>>) target(%arg8 : memref<80xi32, #tpu.memory_space<vmem>>) target_semaphore(%arg20 : memref<!tpu.dma_semaphore, #tpu.memory_space<semaphore_mem>>)
    %dma_start3A_14 = tpu.memref_slice %arg4[%add3A_11] : memref<327680xi32, #tpu.memory_space<hbm>> -> memref<80xi32, #tpu.memory_space<hbm>>
    %dma_start3A_15 = tpu.memref_slice %arg4[%add3A_11] : memref<327680xi32, #tpu.memory_space<hbm>> -> memref<80xi32, #tpu.memory_space<hbm>>
    tpu.enqueue_dma source(%dma_start3A_15 : memref<80xi32, #tpu.memory_space<hbm>>) target(%arg16 : memref<80xi32, #tpu.memory_space<vmem>>) target_semaphore(%arg20 : memref<!tpu.dma_semaphore, #tpu.memory_space<semaphore_mem>>)
    %add3A_16 = arith.constant 160 : i32
    %add3A_17 = arith.addi %mul3A_4, %add3A_16 : i32
    %dma_start3A_18 = tpu.memref_slice %arg3[%add3A_17] : memref<327680xi32, #tpu.memory_space<hbm>> -> memref<80xi32, #tpu.memory_space<hbm>>
    %dma_start3A_19 = tpu.memref_slice %arg3[%add3A_17] : memref<327680xi32, #tpu.memory_space<hbm>> -> memref<80xi32, #tpu.memory_space<hbm>>
    tpu.enqueue_dma source(%dma_start3A_19 : memref<80xi32, #tpu.memory_space<hbm>>) target(%arg9 : memref<80xi32, #tpu.memory_space<vmem>>) target_semaphore(%arg20 : memref<!tpu.dma_semaphore, #tpu.memory_space<semaphore_mem>>)
    %dma_start3A_20 = tpu.memref_slice %arg4[%add3A_17] : memref<327680xi32, #tpu.memory_space<hbm>> -> memref<80xi32, #tpu.memory_space<hbm>>
    %dma_start3A_21 = tpu.memref_slice %arg4[%add3A_17] : memref<327680xi32, #tpu.memory_space<hbm>> -> memref<80xi32, #tpu.memory_space<hbm>>
    tpu.enqueue_dma source(%dma_start3A_21 : memref<80xi32, #tpu.memory_space<hbm>>) target(%arg17 : memref<80xi32, #tpu.memory_space<vmem>>) target_semaphore(%arg20 : memref<!tpu.dma_semaphore, #tpu.memory_space<semaphore_mem>>)
    %add3A_22 = arith.constant 240 : i32
    %add3A_23 = arith.addi %mul3A_4, %add3A_22 : i32
    %dma_start3A_24 = tpu.memref_slice %arg3[%add3A_23] : memref<327680xi32, #tpu.memory_space<hbm>> -> memref<80xi32, #tpu.memory_space<hbm>>
    %dma_start3A_25 = tpu.memref_slice %arg3[%add3A_23] : memref<327680xi32, #tpu.memory_space<hbm>> -> memref<80xi32, #tpu.memory_space<hbm>>
    tpu.enqueue_dma source(%dma_start3A_25 : memref<80xi32, #tpu.memory_space<hbm>>) target(%arg10 : memref<80xi32, #tpu.memory_space<vmem>>) target_semaphore(%arg20 : memref<!tpu.dma_semaphore, #tpu.memory_space<semaphore_mem>>)
    %dma_start3A_26 = tpu.memref_slice %arg4[%add3A_23] : memref<327680xi32, #tpu.memory_space<hbm>> -> memref<80xi32, #tpu.memory_space<hbm>>
    %dma_start3A_27 = tpu.memref_slice %arg4[%add3A_23] : memref<327680xi32, #tpu.memory_space<hbm>> -> memref<80xi32, #tpu.memory_space<hbm>>
    tpu.enqueue_dma source(%dma_start3A_27 : memref<80xi32, #tpu.memory_space<hbm>>) target(%arg18 : memref<80xi32, #tpu.memory_space<vmem>>) target_semaphore(%arg20 : memref<!tpu.dma_semaphore, #tpu.memory_space<semaphore_mem>>)
    %dma_wait3A = tpu.memref_slice %arg3[%add3A_6] : memref<327680xi32, #tpu.memory_space<hbm>> -> memref<80xi32, #tpu.memory_space<hbm>>
    %dma_wait3A_28 = tpu.memref_slice %arg3[%add3A_6] : memref<327680xi32, #tpu.memory_space<hbm>> -> memref<80xi32, #tpu.memory_space<hbm>>
    tpu.wait_dma2 semaphore(%arg20 : memref<!tpu.dma_semaphore, #tpu.memory_space<semaphore_mem>>) src(%dma_wait3A_28 : memref<80xi32, #tpu.memory_space<hbm>>) dst(%arg7 : memref<80xi32, #tpu.memory_space<vmem>>)
    %dma_wait3A_29 = tpu.memref_slice %arg4[%add3A_6] : memref<327680xi32, #tpu.memory_space<hbm>> -> memref<80xi32, #tpu.memory_space<hbm>>
    %dma_wait3A_30 = tpu.memref_slice %arg4[%add3A_6] : memref<327680xi32, #tpu.memory_space<hbm>> -> memref<80xi32, #tpu.memory_space<hbm>>
    tpu.wait_dma2 semaphore(%arg20 : memref<!tpu.dma_semaphore, #tpu.memory_space<semaphore_mem>>) src(%dma_wait3A_30 : memref<80xi32, #tpu.memory_space<hbm>>) dst(%arg15 : memref<80xi32, #tpu.memory_space<vmem>>)
    %dma_wait3A_31 = tpu.memref_slice %arg3[%add3A_11] : memref<327680xi32, #tpu.memory_space<hbm>> -> memref<80xi32, #tpu.memory_space<hbm>>
    %dma_wait3A_32 = tpu.memref_slice %arg3[%add3A_11] : memref<327680xi32, #tpu.memory_space<hbm>> -> memref<80xi32, #tpu.memory_space<hbm>>
    tpu.wait_dma2 semaphore(%arg20 : memref<!tpu.dma_semaphore, #tpu.memory_space<semaphore_mem>>) src(%dma_wait3A_32 : memref<80xi32, #tpu.memory_space<hbm>>) dst(%arg8 : memref<80xi32, #tpu.memory_space<vmem>>)
    %dma_wait3A_33 = tpu.memref_slice %arg4[%add3A_11] : memref<327680xi32, #tpu.memory_space<hbm>> -> memref<80xi32, #tpu.memory_space<hbm>>
    %dma_wait3A_34 = tpu.memref_slice %arg4[%add3A_11] : memref<327680xi32, #tpu.memory_space<hbm>> -> memref<80xi32, #tpu.memory_space<hbm>>
    tpu.wait_dma2 semaphore(%arg20 : memref<!tpu.dma_semaphore, #tpu.memory_space<semaphore_mem>>) src(%dma_wait3A_34 : memref<80xi32, #tpu.memory_space<hbm>>) dst(%arg16 : memref<80xi32, #tpu.memory_space<vmem>>)
    %dma_wait3A_35 = tpu.memref_slice %arg3[%add3A_17] : memref<327680xi32, #tpu.memory_space<hbm>> -> memref<80xi32, #tpu.memory_space<hbm>>
    %dma_wait3A_36 = tpu.memref_slice %arg3[%add3A_17] : memref<327680xi32, #tpu.memory_space<hbm>> -> memref<80xi32, #tpu.memory_space<hbm>>
    tpu.wait_dma2 semaphore(%arg20 : memref<!tpu.dma_semaphore, #tpu.memory_space<semaphore_mem>>) src(%dma_wait3A_36 : memref<80xi32, #tpu.memory_space<hbm>>) dst(%arg9 : memref<80xi32, #tpu.memory_space<vmem>>)
    %dma_wait3A_37 = tpu.memref_slice %arg4[%add3A_17] : memref<327680xi32, #tpu.memory_space<hbm>> -> memref<80xi32, #tpu.memory_space<hbm>>
    %dma_wait3A_38 = tpu.memref_slice %arg4[%add3A_17] : memref<327680xi32, #tpu.memory_space<hbm>> -> memref<80xi32, #tpu.memory_space<hbm>>
    tpu.wait_dma2 semaphore(%arg20 : memref<!tpu.dma_semaphore, #tpu.memory_space<semaphore_mem>>) src(%dma_wait3A_38 : memref<80xi32, #tpu.memory_space<hbm>>) dst(%arg17 : memref<80xi32, #tpu.memory_space<vmem>>)
    %dma_wait3A_39 = tpu.memref_slice %arg3[%add3A_23] : memref<327680xi32, #tpu.memory_space<hbm>> -> memref<80xi32, #tpu.memory_space<hbm>>
    %dma_wait3A_40 = tpu.memref_slice %arg3[%add3A_23] : memref<327680xi32, #tpu.memory_space<hbm>> -> memref<80xi32, #tpu.memory_space<hbm>>
    tpu.wait_dma2 semaphore(%arg20 : memref<!tpu.dma_semaphore, #tpu.memory_space<semaphore_mem>>) src(%dma_wait3A_40 : memref<80xi32, #tpu.memory_space<hbm>>) dst(%arg10 : memref<80xi32, #tpu.memory_space<vmem>>)
    %dma_wait3A_41 = tpu.memref_slice %arg4[%add3A_23] : memref<327680xi32, #tpu.memory_space<hbm>> -> memref<80xi32, #tpu.memory_space<hbm>>
    %dma_wait3A_42 = tpu.memref_slice %arg4[%add3A_23] : memref<327680xi32, #tpu.memory_space<hbm>> -> memref<80xi32, #tpu.memory_space<hbm>>
    tpu.wait_dma2 semaphore(%arg20 : memref<!tpu.dma_semaphore, #tpu.memory_space<semaphore_mem>>) src(%dma_wait3A_42 : memref<80xi32, #tpu.memory_space<hbm>>) dst(%arg18 : memref<80xi32, #tpu.memory_space<vmem>>)
    %scan3A = arith.constant 0 : i32
    %scan3A_43 = arith.constant 0 : i32
    %scan3A_44 = arith.constant 32 : i32
    %scan3A_45 = arith.addi %scan3A_43, %scan3A_44 : i32
    %scan3A_46 = arith.constant 1 : i32
    scf.for %scan3A_51 = %scan3A_43 to %scan3A_45 step %scan3A_46  : i32 {
      %dma_start3A_52 = arith.constant 0 : i32
      %dma_start3A_53 = arith.constant 0 : i32
      %dma_start3A_54 = tpu.memref_slice %arg2[%dma_start3A_52, %dma_start3A_53] : memref<10000x128xf32, #tpu.memory_space<hbm>> -> memref<10000x128xf32, #tpu.memory_space<hbm>>
      tpu.enqueue_indirect_dma source(%dma_start3A_54 : memref<10000x128xf32, #tpu.memory_space<hbm>>) target(%arg11 : memref<80x128xf32, #tpu.memory_space<vmem>>) offsets(%arg7 : memref<80xi32, #tpu.memory_space<vmem>>) semaphore(%arg21 : memref<!tpu.dma_semaphore, #tpu.memory_space<semaphore_mem>>)
      %dma_start3A_55 = arith.constant 0 : i32
      %dma_start3A_56 = arith.constant 0 : i32
      %dma_start3A_57 = tpu.memref_slice %arg2[%dma_start3A_55, %dma_start3A_56] : memref<10000x128xf32, #tpu.memory_space<hbm>> -> memref<10000x128xf32, #tpu.memory_space<hbm>>
      tpu.enqueue_indirect_dma source(%dma_start3A_57 : memref<10000x128xf32, #tpu.memory_space<hbm>>) target(%arg12 : memref<80x128xf32, #tpu.memory_space<vmem>>) offsets(%arg8 : memref<80xi32, #tpu.memory_space<vmem>>) semaphore(%arg21 : memref<!tpu.dma_semaphore, #tpu.memory_space<semaphore_mem>>)
      %dma_start3A_58 = arith.constant 0 : i32
      %dma_start3A_59 = arith.constant 0 : i32
      %dma_start3A_60 = tpu.memref_slice %arg2[%dma_start3A_58, %dma_start3A_59] : memref<10000x128xf32, #tpu.memory_space<hbm>> -> memref<10000x128xf32, #tpu.memory_space<hbm>>
      tpu.enqueue_indirect_dma source(%dma_start3A_60 : memref<10000x128xf32, #tpu.memory_space<hbm>>) target(%arg13 : memref<80x128xf32, #tpu.memory_space<vmem>>) offsets(%arg9 : memref<80xi32, #tpu.memory_space<vmem>>) semaphore(%arg21 : memref<!tpu.dma_semaphore, #tpu.memory_space<semaphore_mem>>)
      %dma_start3A_61 = arith.constant 0 : i32
      %dma_start3A_62 = arith.constant 0 : i32
      %dma_start3A_63 = tpu.memref_slice %arg2[%dma_start3A_61, %dma_start3A_62] : memref<10000x128xf32, #tpu.memory_space<hbm>> -> memref<10000x128xf32, #tpu.memory_space<hbm>>
      tpu.enqueue_indirect_dma source(%dma_start3A_63 : memref<10000x128xf32, #tpu.memory_space<hbm>>) target(%arg14 : memref<80x128xf32, #tpu.memory_space<vmem>>) offsets(%arg10 : memref<80xi32, #tpu.memory_space<vmem>>) semaphore(%arg21 : memref<!tpu.dma_semaphore, #tpu.memory_space<semaphore_mem>>)
      %dma_wait3A_64 = arith.constant 0 : i32
      %dma_wait3A_65 = arith.constant 0 : i32
      %dma_wait3A_66 = tpu.memref_slice %arg2[%dma_wait3A_64, %dma_wait3A_65] : memref<10000x128xf32, #tpu.memory_space<hbm>> -> memref<10000x128xf32, #tpu.memory_space<hbm>>
      tpu.wait_indirect_dma semaphore(%arg21 : memref<!tpu.dma_semaphore, #tpu.memory_space<semaphore_mem>>) src(%dma_wait3A_66 : memref<10000x128xf32, #tpu.memory_space<hbm>>) dst(%arg11 : memref<80x128xf32, #tpu.memory_space<vmem>>)
      %dma_wait3A_67 = arith.constant 0 : i32
      %dma_wait3A_68 = arith.constant 0 : i32
      %dma_wait3A_69 = tpu.memref_slice %arg2[%dma_wait3A_67, %dma_wait3A_68] : memref<10000x128xf32, #tpu.memory_space<hbm>> -> memref<10000x128xf32, #tpu.memory_space<hbm>>
      tpu.wait_indirect_dma semaphore(%arg21 : memref<!tpu.dma_semaphore, #tpu.memory_space<semaphore_mem>>) src(%dma_wait3A_69 : memref<10000x128xf32, #tpu.memory_space<hbm>>) dst(%arg12 : memref<80x128xf32, #tpu.memory_space<vmem>>)
      %dma_wait3A_70 = arith.constant 0 : i32
      %dma_wait3A_71 = arith.constant 0 : i32
      %dma_wait3A_72 = tpu.memref_slice %arg2[%dma_wait3A_70, %dma_wait3A_71] : memref<10000x128xf32, #tpu.memory_space<hbm>> -> memref<10000x128xf32, #tpu.memory_space<hbm>>
      tpu.wait_indirect_dma semaphore(%arg21 : memref<!tpu.dma_semaphore, #tpu.memory_space<semaphore_mem>>) src(%dma_wait3A_72 : memref<10000x128xf32, #tpu.memory_space<hbm>>) dst(%arg13 : memref<80x128xf32, #tpu.memory_space<vmem>>)
      %dma_wait3A_73 = arith.constant 0 : i32
      %dma_wait3A_74 = arith.constant 0 : i32
      %dma_wait3A_75 = tpu.memref_slice %arg2[%dma_wait3A_73, %dma_wait3A_74] : memref<10000x128xf32, #tpu.memory_space<hbm>> -> memref<10000x128xf32, #tpu.memory_space<hbm>>
      tpu.wait_indirect_dma semaphore(%arg21 : memref<!tpu.dma_semaphore, #tpu.memory_space<semaphore_mem>>) src(%dma_wait3A_75 : memref<10000x128xf32, #tpu.memory_space<hbm>>) dst(%arg14 : memref<80x128xf32, #tpu.memory_space<vmem>>)
      %dma_start3A_76 = arith.constant 0 : i32
      %dma_start3A_77 = arith.constant 0 : i32
      %dma_start3A_78 = tpu.memref_slice %arg19[%dma_start3A_76, %dma_start3A_77] : memref<10112x128xf32, #tpu.memory_space<vmem_shared>> -> memref<10112x128xf32, #tpu.memory_space<vmem_shared>>
      tpu.enqueue_indirect_dma source(%arg11 : memref<80x128xf32, #tpu.memory_space<vmem>>) target(%dma_start3A_78 : memref<10112x128xf32, #tpu.memory_space<vmem_shared>>) offsets(%arg15 : memref<80xi32, #tpu.memory_space<vmem>>) semaphore(%arg22 : memref<!tpu.dma_semaphore, #tpu.memory_space<semaphore_mem>>) {add = true}
      %dma_start3A_79 = arith.constant 0 : i32
      %dma_start3A_80 = arith.constant 0 : i32
      %dma_start3A_81 = tpu.memref_slice %arg19[%dma_start3A_79, %dma_start3A_80] : memref<10112x128xf32, #tpu.memory_space<vmem_shared>> -> memref<10112x128xf32, #tpu.memory_space<vmem_shared>>
      tpu.enqueue_indirect_dma source(%arg12 : memref<80x128xf32, #tpu.memory_space<vmem>>) target(%dma_start3A_81 : memref<10112x128xf32, #tpu.memory_space<vmem_shared>>) offsets(%arg16 : memref<80xi32, #tpu.memory_space<vmem>>) semaphore(%arg22 : memref<!tpu.dma_semaphore, #tpu.memory_space<semaphore_mem>>) {add = true}
      %dma_start3A_82 = arith.constant 0 : i32
      %dma_start3A_83 = arith.constant 0 : i32
      %dma_start3A_84 = tpu.memref_slice %arg19[%dma_start3A_82, %dma_start3A_83] : memref<10112x128xf32, #tpu.memory_space<vmem_shared>> -> memref<10112x128xf32, #tpu.memory_space<vmem_shared>>
      tpu.enqueue_indirect_dma source(%arg13 : memref<80x128xf32, #tpu.memory_space<vmem>>) target(%dma_start3A_84 : memref<10112x128xf32, #tpu.memory_space<vmem_shared>>) offsets(%arg17 : memref<80xi32, #tpu.memory_space<vmem>>) semaphore(%arg22 : memref<!tpu.dma_semaphore, #tpu.memory_space<semaphore_mem>>) {add = true}
      %dma_start3A_85 = arith.constant 0 : i32
      %dma_start3A_86 = arith.constant 0 : i32
      %dma_start3A_87 = tpu.memref_slice %arg19[%dma_start3A_85, %dma_start3A_86] : memref<10112x128xf32, #tpu.memory_space<vmem_shared>> -> memref<10112x128xf32, #tpu.memory_space<vmem_shared>>
      tpu.enqueue_indirect_dma source(%arg14 : memref<80x128xf32, #tpu.memory_space<vmem>>) target(%dma_start3A_87 : memref<10112x128xf32, #tpu.memory_space<vmem_shared>>) offsets(%arg18 : memref<80xi32, #tpu.memory_space<vmem>>) semaphore(%arg22 : memref<!tpu.dma_semaphore, #tpu.memory_space<semaphore_mem>>) {add = true}
      %dma_wait3A_88 = arith.constant 0 : i32
      %dma_wait3A_89 = arith.constant 0 : i32
      %dma_wait3A_90 = tpu.memref_slice %arg19[%dma_wait3A_88, %dma_wait3A_89] : memref<10112x128xf32, #tpu.memory_space<vmem_shared>> -> memref<10112x128xf32, #tpu.memory_space<vmem_shared>>
      tpu.wait_indirect_dma semaphore(%arg22 : memref<!tpu.dma_semaphore, #tpu.memory_space<semaphore_mem>>) src(%arg11 : memref<80x128xf32, #tpu.memory_space<vmem>>) dst(%dma_wait3A_90 : memref<10112x128xf32, #tpu.memory_space<vmem_shared>>)
      %dma_wait3A_91 = arith.constant 0 : i32
      %dma_wait3A_92 = arith.constant 0 : i32
      %dma_wait3A_93 = tpu.memref_slice %arg19[%dma_wait3A_91, %dma_wait3A_92] : memref<10112x128xf32, #tpu.memory_space<vmem_shared>> -> memref<10112x128xf32, #tpu.memory_space<vmem_shared>>
      tpu.wait_indirect_dma semaphore(%arg22 : memref<!tpu.dma_semaphore, #tpu.memory_space<semaphore_mem>>) src(%arg12 : memref<80x128xf32, #tpu.memory_space<vmem>>) dst(%dma_wait3A_93 : memref<10112x128xf32, #tpu.memory_space<vmem_shared>>)
      %dma_wait3A_94 = arith.constant 0 : i32
      %dma_wait3A_95 = arith.constant 0 : i32
      %dma_wait3A_96 = tpu.memref_slice %arg19[%dma_wait3A_94, %dma_wait3A_95] : memref<10112x128xf32, #tpu.memory_space<vmem_shared>> -> memref<10112x128xf32, #tpu.memory_space<vmem_shared>>
      tpu.wait_indirect_dma semaphore(%arg22 : memref<!tpu.dma_semaphore, #tpu.memory_space<semaphore_mem>>) src(%arg13 : memref<80x128xf32, #tpu.memory_space<vmem>>) dst(%dma_wait3A_96 : memref<10112x128xf32, #tpu.memory_space<vmem_shared>>)
      %dma_wait3A_97 = arith.constant 0 : i32
      %dma_wait3A_98 = arith.constant 0 : i32
      %dma_wait3A_99 = tpu.memref_slice %arg19[%dma_wait3A_97, %dma_wait3A_98] : memref<10112x128xf32, #tpu.memory_space<vmem_shared>> -> memref<10112x128xf32, #tpu.memory_space<vmem_shared>>
      tpu.wait_indirect_dma semaphore(%arg22 : memref<!tpu.dma_semaphore, #tpu.memory_space<semaphore_mem>>) src(%arg14 : memref<80x128xf32, #tpu.memory_space<vmem>>) dst(%dma_wait3A_99 : memref<10112x128xf32, #tpu.memory_space<vmem_shared>>)
      %add3A_100 = arith.constant 1 : i32
      %add3A_101 = arith.addi %scan3A_51, %add3A_100 : i32
      %min3A = arith.constant 31 : i32
      %min3A_102 = arith.minsi %add3A_101, %min3A : i32
      %mul3A_103 = arith.constant 4 : i32
      %mul3A_104 = arith.muli %min3A_102, %mul3A_103 : i32
      %add3A_105 = arith.constant 0 : i32
      %add3A_106 = arith.addi %mul3A_104, %add3A_105 : i32
      %mul3A_107 = arith.constant 80 : i32
      %mul3A_108 = arith.muli %add3A_106, %mul3A_107 : i32
      %add3A_109 = arith.addi %mul3A_4, %mul3A_108 : i32
      %dma_start3A_110 = tpu.memref_slice %arg3[%add3A_109] : memref<327680xi32, #tpu.memory_space<hbm>> -> memref<80xi32, #tpu.memory_space<hbm>>
      %dma_start3A_111 = tpu.memref_slice %arg3[%add3A_109] : memref<327680xi32, #tpu.memory_space<hbm>> -> memref<80xi32, #tpu.memory_space<hbm>>
      tpu.enqueue_dma source(%dma_start3A_111 : memref<80xi32, #tpu.memory_space<hbm>>) target(%arg7 : memref<80xi32, #tpu.memory_space<vmem>>) target_semaphore(%arg20 : memref<!tpu.dma_semaphore, #tpu.memory_space<semaphore_mem>>)
      %dma_start3A_112 = tpu.memref_slice %arg4[%add3A_109] : memref<327680xi32, #tpu.memory_space<hbm>> -> memref<80xi32, #tpu.memory_space<hbm>>
      %dma_start3A_113 = tpu.memref_slice %arg4[%add3A_109] : memref<327680xi32, #tpu.memory_space<hbm>> -> memref<80xi32, #tpu.memory_space<hbm>>
      tpu.enqueue_dma source(%dma_start3A_113 : memref<80xi32, #tpu.memory_space<hbm>>) target(%arg15 : memref<80xi32, #tpu.memory_space<vmem>>) target_semaphore(%arg20 : memref<!tpu.dma_semaphore, #tpu.memory_space<semaphore_mem>>)
      %mul3A_114 = arith.constant 4 : i32
      %mul3A_115 = arith.muli %min3A_102, %mul3A_114 : i32
      %add3A_116 = arith.constant 1 : i32
      %add3A_117 = arith.addi %mul3A_115, %add3A_116 : i32
      %mul3A_118 = arith.constant 80 : i32
      %mul3A_119 = arith.muli %add3A_117, %mul3A_118 : i32
      %add3A_120 = arith.addi %mul3A_4, %mul3A_119 : i32
      %dma_start3A_121 = tpu.memref_slice %arg3[%add3A_120] : memref<327680xi32, #tpu.memory_space<hbm>> -> memref<80xi32, #tpu.memory_space<hbm>>
      %dma_start3A_122 = tpu.memref_slice %arg3[%add3A_120] : memref<327680xi32, #tpu.memory_space<hbm>> -> memref<80xi32, #tpu.memory_space<hbm>>
      tpu.enqueue_dma source(%dma_start3A_122 : memref<80xi32, #tpu.memory_space<hbm>>) target(%arg8 : memref<80xi32, #tpu.memory_space<vmem>>) target_semaphore(%arg20 : memref<!tpu.dma_semaphore, #tpu.memory_space<semaphore_mem>>)
      %dma_start3A_123 = tpu.memref_slice %arg4[%add3A_120] : memref<327680xi32, #tpu.memory_space<hbm>> -> memref<80xi32, #tpu.memory_space<hbm>>
      %dma_start3A_124 = tpu.memref_slice %arg4[%add3A_120] : memref<327680xi32, #tpu.memory_space<hbm>> -> memref<80xi32, #tpu.memory_space<hbm>>
      tpu.enqueue_dma source(%dma_start3A_124 : memref<80xi32, #tpu.memory_space<hbm>>) target(%arg16 : memref<80xi32, #tpu.memory_space<vmem>>) target_semaphore(%arg20 : memref<!tpu.dma_semaphore, #tpu.memory_space<semaphore_mem>>)
      %mul3A_125 = arith.constant 4 : i32
      %mul3A_126 = arith.muli %min3A_102, %mul3A_125 : i32
      %add3A_127 = arith.constant 2 : i32
      %add3A_128 = arith.addi %mul3A_126, %add3A_127 : i32
      %mul3A_129 = arith.constant 80 : i32
      %mul3A_130 = arith.muli %add3A_128, %mul3A_129 : i32
      %add3A_131 = arith.addi %mul3A_4, %mul3A_130 : i32
      %dma_start3A_132 = tpu.memref_slice %arg3[%add3A_131] : memref<327680xi32, #tpu.memory_space<hbm>> -> memref<80xi32, #tpu.memory_space<hbm>>
      %dma_start3A_133 = tpu.memref_slice %arg3[%add3A_131] : memref<327680xi32, #tpu.memory_space<hbm>> -> memref<80xi32, #tpu.memory_space<hbm>>
      tpu.enqueue_dma source(%dma_start3A_133 : memref<80xi32, #tpu.memory_space<hbm>>) target(%arg9 : memref<80xi32, #tpu.memory_space<vmem>>) target_semaphore(%arg20 : memref<!tpu.dma_semaphore, #tpu.memory_space<semaphore_mem>>)
      %dma_start3A_134 = tpu.memref_slice %arg4[%add3A_131] : memref<327680xi32, #tpu.memory_space<hbm>> -> memref<80xi32, #tpu.memory_space<hbm>>
      %dma_start3A_135 = tpu.memref_slice %arg4[%add3A_131] : memref<327680xi32, #tpu.memory_space<hbm>> -> memref<80xi32, #tpu.memory_space<hbm>>
      tpu.enqueue_dma source(%dma_start3A_135 : memref<80xi32, #tpu.memory_space<hbm>>) target(%arg17 : memref<80xi32, #tpu.memory_space<vmem>>) target_semaphore(%arg20 : memref<!tpu.dma_semaphore, #tpu.memory_space<semaphore_mem>>)
      %mul3A_136 = arith.constant 4 : i32
      %mul3A_137 = arith.muli %min3A_102, %mul3A_136 : i32
      %add3A_138 = arith.constant 3 : i32
      %add3A_139 = arith.addi %mul3A_137, %add3A_138 : i32
      %mul3A_140 = arith.constant 80 : i32
      %mul3A_141 = arith.muli %add3A_139, %mul3A_140 : i32
      %add3A_142 = arith.addi %mul3A_4, %mul3A_141 : i32
      %dma_start3A_143 = tpu.memref_slice %arg3[%add3A_142] : memref<327680xi32, #tpu.memory_space<hbm>> -> memref<80xi32, #tpu.memory_space<hbm>>
      %dma_start3A_144 = tpu.memref_slice %arg3[%add3A_142] : memref<327680xi32, #tpu.memory_space<hbm>> -> memref<80xi32, #tpu.memory_space<hbm>>
      tpu.enqueue_dma source(%dma_start3A_144 : memref<80xi32, #tpu.memory_space<hbm>>) target(%arg10 : memref<80xi32, #tpu.memory_space<vmem>>) target_semaphore(%arg20 : memref<!tpu.dma_semaphore, #tpu.memory_space<semaphore_mem>>)
      %dma_start3A_145 = tpu.memref_slice %arg4[%add3A_142] : memref<327680xi32, #tpu.memory_space<hbm>> -> memref<80xi32, #tpu.memory_space<hbm>>
      %dma_start3A_146 = tpu.memref_slice %arg4[%add3A_142] : memref<327680xi32, #tpu.memory_space<hbm>> -> memref<80xi32, #tpu.memory_space<hbm>>
      tpu.enqueue_dma source(%dma_start3A_146 : memref<80xi32, #tpu.memory_space<hbm>>) target(%arg18 : memref<80xi32, #tpu.memory_space<vmem>>) target_semaphore(%arg20 : memref<!tpu.dma_semaphore, #tpu.memory_space<semaphore_mem>>)
      %dma_wait3A_147 = tpu.memref_slice %arg3[%add3A_109] : memref<327680xi32, #tpu.memory_space<hbm>> -> memref<80xi32, #tpu.memory_space<hbm>>
      %dma_wait3A_148 = tpu.memref_slice %arg3[%add3A_109] : memref<327680xi32, #tpu.memory_space<hbm>> -> memref<80xi32, #tpu.memory_space<hbm>>
      tpu.wait_dma2 semaphore(%arg20 : memref<!tpu.dma_semaphore, #tpu.memory_space<semaphore_mem>>) src(%dma_wait3A_148 : memref<80xi32, #tpu.memory_space<hbm>>) dst(%arg7 : memref<80xi32, #tpu.memory_space<vmem>>)
      %dma_wait3A_149 = tpu.memref_slice %arg4[%add3A_109] : memref<327680xi32, #tpu.memory_space<hbm>> -> memref<80xi32, #tpu.memory_space<hbm>>
      %dma_wait3A_150 = tpu.memref_slice %arg4[%add3A_109] : memref<327680xi32, #tpu.memory_space<hbm>> -> memref<80xi32, #tpu.memory_space<hbm>>
      tpu.wait_dma2 semaphore(%arg20 : memref<!tpu.dma_semaphore, #tpu.memory_space<semaphore_mem>>) src(%dma_wait3A_150 : memref<80xi32, #tpu.memory_space<hbm>>) dst(%arg15 : memref<80xi32, #tpu.memory_space<vmem>>)
      %dma_wait3A_151 = tpu.memref_slice %arg3[%add3A_120] : memref<327680xi32, #tpu.memory_space<hbm>> -> memref<80xi32, #tpu.memory_space<hbm>>
      %dma_wait3A_152 = tpu.memref_slice %arg3[%add3A_120] : memref<327680xi32, #tpu.memory_space<hbm>> -> memref<80xi32, #tpu.memory_space<hbm>>
      tpu.wait_dma2 semaphore(%arg20 : memref<!tpu.dma_semaphore, #tpu.memory_space<semaphore_mem>>) src(%dma_wait3A_152 : memref<80xi32, #tpu.memory_space<hbm>>) dst(%arg8 : memref<80xi32, #tpu.memory_space<vmem>>)
      %dma_wait3A_153 = tpu.memref_slice %arg4[%add3A_120] : memref<327680xi32, #tpu.memory_space<hbm>> -> memref<80xi32, #tpu.memory_space<hbm>>
      %dma_wait3A_154 = tpu.memref_slice %arg4[%add3A_120] : memref<327680xi32, #tpu.memory_space<hbm>> -> memref<80xi32, #tpu.memory_space<hbm>>
      tpu.wait_dma2 semaphore(%arg20 : memref<!tpu.dma_semaphore, #tpu.memory_space<semaphore_mem>>) src(%dma_wait3A_154 : memref<80xi32, #tpu.memory_space<hbm>>) dst(%arg16 : memref<80xi32, #tpu.memory_space<vmem>>)
      %dma_wait3A_155 = tpu.memref_slice %arg3[%add3A_131] : memref<327680xi32, #tpu.memory_space<hbm>> -> memref<80xi32, #tpu.memory_space<hbm>>
      %dma_wait3A_156 = tpu.memref_slice %arg3[%add3A_131] : memref<327680xi32, #tpu.memory_space<hbm>> -> memref<80xi32, #tpu.memory_space<hbm>>
      tpu.wait_dma2 semaphore(%arg20 : memref<!tpu.dma_semaphore, #tpu.memory_space<semaphore_mem>>) src(%dma_wait3A_156 : memref<80xi32, #tpu.memory_space<hbm>>) dst(%arg9 : memref<80xi32, #tpu.memory_space<vmem>>)
      %dma_wait3A_157 = tpu.memref_slice %arg4[%add3A_131] : memref<327680xi32, #tpu.memory_space<hbm>> -> memref<80xi32, #tpu.memory_space<hbm>>
      %dma_wait3A_158 = tpu.memref_slice %arg4[%add3A_131] : memref<327680xi32, #tpu.memory_space<hbm>> -> memref<80xi32, #tpu.memory_space<hbm>>
      tpu.wait_dma2 semaphore(%arg20 : memref<!tpu.dma_semaphore, #tpu.memory_space<semaphore_mem>>) src(%dma_wait3A_158 : memref<80xi32, #tpu.memory_space<hbm>>) dst(%arg17 : memref<80xi32, #tpu.memory_space<vmem>>)
      %dma_wait3A_159 = tpu.memref_slice %arg3[%add3A_142] : memref<327680xi32, #tpu.memory_space<hbm>> -> memref<80xi32, #tpu.memory_space<hbm>>
      %dma_wait3A_160 = tpu.memref_slice %arg3[%add3A_142] : memref<327680xi32, #tpu.memory_space<hbm>> -> memref<80xi32, #tpu.memory_space<hbm>>
      tpu.wait_dma2 semaphore(%arg20 : memref<!tpu.dma_semaphore, #tpu.memory_space<semaphore_mem>>) src(%dma_wait3A_160 : memref<80xi32, #tpu.memory_space<hbm>>) dst(%arg10 : memref<80xi32, #tpu.memory_space<vmem>>)
      %dma_wait3A_161 = tpu.memref_slice %arg4[%add3A_142] : memref<327680xi32, #tpu.memory_space<hbm>> -> memref<80xi32, #tpu.memory_space<hbm>>
      %dma_wait3A_162 = tpu.memref_slice %arg4[%add3A_142] : memref<327680xi32, #tpu.memory_space<hbm>> -> memref<80xi32, #tpu.memory_space<hbm>>
      tpu.wait_dma2 semaphore(%arg20 : memref<!tpu.dma_semaphore, #tpu.memory_space<semaphore_mem>>) src(%dma_wait3A_162 : memref<80xi32, #tpu.memory_space<hbm>>) dst(%arg18 : memref<80xi32, #tpu.memory_space<vmem>>)
    }
    %scan3A_47 = arith.constant 32 : i32
    %barrier3A_48 = arith.constant 0 : index
    tpu.barrier barrier_id(%barrier3A_48)
    %mul3A_49 = arith.constant 632 : i32
    %mul3A_50 = arith.muli %add3A, %mul3A_49 : i32
    "tpu.region"() ({
      %run_scoped3A = tpu.sem_alloc : memref<!tpu.dma_semaphore, #tpu.memory_space<semaphore_mem>>
      %dma_start3A_51 = arith.constant 0 : i32
      %dma_start3A_52 = tpu.memref_slice %arg6[%mul3A_50, %dma_start3A_51] : memref<20224x128xf32, #tpu.memory_space<hbm>> -> memref<632x128xf32, #tpu.memory_space<hbm>>
      %dma_start3A_53 = arith.constant 0 : i32
      %dma_start3A_54 = tpu.memref_slice %arg19[%mul3A_2, %dma_start3A_53] : memref<10112x128xf32, #tpu.memory_space<vmem_shared>> -> memref<632x128xf32, #tpu.memory_space<vmem_shared>>
      tpu.enqueue_dma source(%dma_start3A_54 : memref<632x128xf32, #tpu.memory_space<vmem_shared>>) target(%dma_start3A_52 : memref<632x128xf32, #tpu.memory_space<hbm>>) target_semaphore(%run_scoped3A : memref<!tpu.dma_semaphore, #tpu.memory_space<semaphore_mem>>)
      %dma_wait3A_55 = arith.constant 0 : i32
      %dma_wait3A_56 = tpu.memref_slice %arg6[%mul3A_50, %dma_wait3A_55] : memref<20224x128xf32, #tpu.memory_space<hbm>> -> memref<632x128xf32, #tpu.memory_space<hbm>>
      %dma_wait3A_57 = arith.constant 0 : i32
      %dma_wait3A_58 = tpu.memref_slice %arg19[%mul3A_2, %dma_wait3A_57] : memref<10112x128xf32, #tpu.memory_space<vmem_shared>> -> memref<632x128xf32, #tpu.memory_space<vmem_shared>>
      tpu.wait_dma2 semaphore(%run_scoped3A : memref<!tpu.dma_semaphore, #tpu.memory_space<semaphore_mem>>) src(%dma_wait3A_58 : memref<632x128xf32, #tpu.memory_space<vmem_shared>>) dst(%dma_wait3A_56 : memref<632x128xf32, #tpu.memory_space<hbm>>)
      tpu.yield
    }) : () -> ()
    return
  }
}

module attributes {stable_mosaic.version = 14 : i64} {
  func.func @_deg_body(%arg0: i32, %arg1: memref<4000x1xi32, #tpu.memory_space<vmem>>, %arg2: memref<79x128xf32, #tpu.memory_space<vmem>>, %arg3: memref<79x128xf32, #tpu.memory_space<vmem>>) attributes {dimension_semantics = [#tpu.dimension_semantics<arbitrary>], iteration_bounds = array<i64: 80>, scalar_prefetch = 0 : i64, scratch_operands = 1 : i64, tpu.core_type = #tpu.core_type<tc>, window_params = [{transform_indices = @transform_0, window_bounds = array<i64: 4000, 1>}, {pipeline_mode = #tpu.pipeline_mode<synchronous>, transform_indices = @transform_1, window_bounds = array<i64: 79, 128>}]} {
    %eq3A = arith.constant 0 : i32
    %eq3A_0 = arith.cmpi eq, %arg0, %eq3A : i32
    %convert_element_type3A = arith.extui %eq3A_0 : i1 to i32
    %cond3A = arith.constant 0 : i32
    %cond3A_1 = arith.cmpi ne, %convert_element_type3A, %cond3A : i32
    scf.if %cond3A_1 {
      %broadcast_in_dim3A = arith.constant 0.000000e+00 : f32
      %broadcast_in_dim3A_52 = vector.broadcast %broadcast_in_dim3A : f32 to vector<79x128xf32>
      %swap3A_53 = arith.constant 0 : index
      %swap3A_54 = arith.constant 0 : index
      %swap3A_55 = vector.load %arg3[%swap3A_53, %swap3A_54] : memref<79x128xf32, #tpu.memory_space<vmem>>, vector<79x128xf32>
      tpu.vector_store %arg3[%swap3A_53, %swap3A_54], %broadcast_in_dim3A_52 {strides = array<i32>} : memref<79x128xf32, #tpu.memory_space<vmem>>, vector<79x128xf32>,
    } else {
    }
    %get3A = arith.constant 0 : index
    %get3A_2 = arith.constant 0 : index
    %get3A_3 = vector.load %arg1[%get3A, %get3A_2] : memref<4000x1xi32, #tpu.memory_space<vmem>>, vector<4000x1xi32>
    %jit3A = arith.constant 128 : i32
    %div3A = vector.broadcast %jit3A : i32 to vector<4000x1xi32>
    %div3A_4 = arith.divsi %get3A_3, %div3A : vector<4000x1xi32>
    %sign3A = arith.constant 0 : i32
    %sign3A_5 = vector.broadcast %sign3A : i32 to vector<4000x1xi32>
    %sign3A_6 = arith.cmpi sgt, %get3A_3, %sign3A_5 : vector<4000x1xi32>
    %sign3A_7 = arith.extui %sign3A_6 : vector<4000x1xi1> to vector<4000x1xi32>
    %sign3A_8 = arith.constant 0 : i32
    %sign3A_9 = vector.broadcast %sign3A_8 : i32 to vector<4000x1xi32>
    %sign3A_10 = arith.cmpi slt, %get3A_3, %sign3A_9 : vector<4000x1xi32>
    %sign3A_11 = arith.extui %sign3A_10 : vector<4000x1xi1> to vector<4000x1xi32>
    %sign3A_12 = arith.subi %sign3A_7, %sign3A_11 : vector<4000x1xi32>
    %sign3A_13 = arith.constant 0 : i32
    %sign3A_14 = arith.cmpi sgt, %jit3A, %sign3A_13 : i32
    %sign3A_15 = arith.extui %sign3A_14 : i1 to i32
    %sign3A_16 = arith.constant 0 : i32
    %sign3A_17 = arith.cmpi slt, %jit3A, %sign3A_16 : i32
    %sign3A_18 = arith.extui %sign3A_17 : i1 to i32
    %sign3A_19 = arith.subi %sign3A_15, %sign3A_18 : i32
    %ne3A = vector.broadcast %sign3A_19 : i32 to vector<4000x1xi32>
    %ne3A_20 = arith.cmpi ne, %sign3A_12, %ne3A : vector<4000x1xi32>
    %rem3A = vector.broadcast %jit3A : i32 to vector<4000x1xi32>
    %rem3A_21 = arith.remsi %get3A_3, %rem3A : vector<4000x1xi32>
    %ne3A_22 = arith.constant 0 : i32
    %ne3A_23 = vector.broadcast %ne3A_22 : i32 to vector<4000x1xi32>
    %ne3A_24 = arith.cmpi ne, %rem3A_21, %ne3A_23 : vector<4000x1xi32>
    %and3A = arith.andi %ne3A_20, %ne3A_24 : vector<4000x1xi1>
    %sub3A = arith.constant 1 : i32
    %sub3A_25 = vector.broadcast %sub3A : i32 to vector<4000x1xi32>
    %sub3A_26 = arith.subi %div3A_4, %sub3A_25 : vector<4000x1xi32>
    %select_n3A = arith.select %and3A, %sub3A_26, %div3A_4 : vector<4000x1xi1>, vector<4000x1xi32>
    %mul3A = arith.constant 128 : i32
    %mul3A_27 = vector.broadcast %mul3A : i32 to vector<4000x1xi32>
    %mul3A_28 = arith.muli %select_n3A, %mul3A_27 : vector<4000x1xi32>
    %sub3A_29 = arith.subi %get3A_3, %mul3A_28 : vector<4000x1xi32>
    %iota3A = tpu.iota {dimensions = array<i32: 1>} : vector<1x79xi32>
    %eq3A_30 = vector.broadcast %select_n3A : vector<4000x1xi32> to vector<4000x79xi32>
    %eq3A_31 = vector.broadcast %iota3A : vector<1x79xi32> to vector<4000x79xi32>
    %eq3A_32 = arith.cmpi eq, %eq3A_30, %eq3A_31 : vector<4000x79xi32>
    %convert_element_type3A_33 = arith.extui %eq3A_32 : vector<4000x79xi1> to vector<4000x79xi32>
    %convert_element_type3A_34 = arith.sitofp %convert_element_type3A_33 : vector<4000x79xi32> to vector<4000x79xf32>
    %iota3A_35 = tpu.iota {dimensions = array<i32: 1>} : vector<1x128xi32>
    %eq3A_36 = vector.broadcast %sub3A_29 : vector<4000x1xi32> to vector<4000x128xi32>
    %eq3A_37 = vector.broadcast %iota3A_35 : vector<1x128xi32> to vector<4000x128xi32>
    %eq3A_38 = arith.cmpi eq, %eq3A_36, %eq3A_37 : vector<4000x128xi32>
    %convert_element_type3A_39 = arith.extui %eq3A_38 : vector<4000x128xi1> to vector<4000x128xi32>
    %convert_element_type3A_40 = arith.sitofp %convert_element_type3A_39 : vector<4000x128xi32> to vector<4000x128xf32>
    %get3A_41 = arith.constant 0 : index
    %get3A_42 = arith.constant 0 : index
    %get3A_43 = vector.load %arg3[%get3A_41, %get3A_42] : memref<79x128xf32, #tpu.memory_space<vmem>>, vector<79x128xf32>
    %dot_general3A = arith.constant dense<0.000000e+00> : vector<79x128xf32>
    %dot_general3A_44 = tpu.matmul %convert_element_type3A_34, %convert_element_type3A_40, %dot_general3A {dimension_numbers = #tpu.dot_dimension_numbers<[0], [0], [1], [1], [0, 1, 1, 1], [], []>, transpose_lhs_hint = false} : vector<4000x79xf32>, vector<4000x128xf32>, vector<79x128xf32> -> vector<79x128xf32>
    %add3A = arith.addf %get3A_43, %dot_general3A_44 : vector<79x128xf32>
    %swap3A = arith.constant 0 : index
    %swap3A_45 = arith.constant 0 : index
    %swap3A_46 = vector.load %arg3[%swap3A, %swap3A_45] : memref<79x128xf32, #tpu.memory_space<vmem>>, vector<79x128xf32>
    tpu.vector_store %arg3[%swap3A, %swap3A_45], %add3A {strides = array<i32>} : memref<79x128xf32, #tpu.memory_space<vmem>>, vector<79x128xf32>,
    %eq3A_47 = arith.constant 79 : i32
    %eq3A_48 = arith.cmpi eq, %arg0, %eq3A_47 : i32
    %convert_element_type3A_49 = arith.extui %eq3A_48 : i1 to i32
    %cond3A_50 = arith.constant 0 : i32
    %cond3A_51 = arith.cmpi ne, %convert_element_type3A_49, %cond3A_50 : i32
    scf.if %cond3A_51 {
      %get3A_52 = arith.constant 0 : index
      %get3A_53 = arith.constant 0 : index
      %get3A_54 = vector.load %arg3[%get3A_52, %get3A_53] : memref<79x128xf32, #tpu.memory_space<vmem>>, vector<79x128xf32>
      %swap3A_55 = arith.constant 0 : index
      %swap3A_56 = arith.constant 0 : index
      %swap3A_57 = vector.load %arg2[%swap3A_55, %swap3A_56] : memref<79x128xf32, #tpu.memory_space<vmem>>, vector<79x128xf32>
      tpu.vector_store %arg2[%swap3A_55, %swap3A_56], %get3A_54 {strides = array<i32>} : memref<79x128xf32, #tpu.memory_space<vmem>>, vector<79x128xf32>,
    } else {
    }
    return
  }
  func.func @transform_0(%arg0: i32) -> (i32, i32) {
    %c0_i32 = arith.constant 0 : i32
    %c0_i32_0 = arith.constant 0 : i32
    return %arg0, %c0_i32 : i32, i32
  }
  func.func @transform_1(%arg0: i32) -> (i32, i32) {
    %c0_i32 = arith.constant 0 : i32
    %c0_i32_0 = arith.constant 0 : i32
    %c0_i32_1 = arith.constant 0 : i32
    return %c0_i32, %c0_i32_0 : i32, i32
  }
}

module attributes {stable_mosaic.version = 14 : i64} {
  func.func @_tc_body(%arg0: i32, %arg1: memref<1000x128xf32, #tpu.memory_space<vmem>>, %arg2: memref<1000x128xf32, #tpu.memory_space<vmem>>, %arg3: memref<1000x128xf32, #tpu.memory_space<vmem>>, %arg4: memref<1000x1xf32, #tpu.memory_space<vmem>>, %arg5: memref<1000x1xi32, #tpu.memory_space<vmem>>, %arg6: memref<128x128xf32, #tpu.memory_space<vmem>>, %arg7: memref<128x128xf32, #tpu.memory_space<vmem>>, %arg8: memref<1x128xf32, #tpu.memory_space<vmem>>, %arg9: memref<128x8xf32, #tpu.memory_space<vmem>>, %arg10: memref<1x8xf32, #tpu.memory_space<vmem>>, %arg11: memref<64x8xf32, #tpu.memory_space<vmem>>, %arg12: memref<64x128xf32, #tpu.memory_space<vmem>>) attributes {dimension_semantics = [#tpu.dimension_semantics<arbitrary>], iteration_bounds = array<i64: 10>, scalar_prefetch = 0 : i64, scratch_operands = 1 : i64, tpu.core_type = #tpu.core_type<tc>, window_params = [{transform_indices = @transform_0, window_bounds = array<i64: 1000, 128>}, {transform_indices = @transform_1, window_bounds = array<i64: 1000, 128>}, {transform_indices = @transform_2, window_bounds = array<i64: 1000, 128>}, {transform_indices = @transform_3, window_bounds = array<i64: 1000, 1>}, {transform_indices = @transform_4, window_bounds = array<i64: 1000, 1>}, {pipeline_mode = #tpu.pipeline_mode<synchronous>, transform_indices = @transform_5, window_bounds = array<i64: 128, 128>}, {pipeline_mode = #tpu.pipeline_mode<synchronous>, transform_indices = @transform_6, window_bounds = array<i64: 128, 128>}, {pipeline_mode = #tpu.pipeline_mode<synchronous>, transform_indices = @transform_7, window_bounds = array<i64: 1, 128>}, {pipeline_mode = #tpu.pipeline_mode<synchronous>, transform_indices = @transform_8, window_bounds = array<i64: 128, 8>}, {pipeline_mode = #tpu.pipeline_mode<synchronous>, transform_indices = @transform_9, window_bounds = array<i64: 1, 8>}, {pipeline_mode = #tpu.pipeline_mode<synchronous>, transform_indices = @transform_10, window_bounds = array<i64: 64, 8>}]} {
    %eq3A = arith.constant 0 : i32
    %eq3A_0 = arith.cmpi eq, %arg0, %eq3A : i32
    %convert_element_type3A = arith.extui %eq3A_0 : i1 to i32
    %cond3A = arith.constant 0 : i32
    %cond3A_1 = arith.cmpi ne, %convert_element_type3A, %cond3A : i32
    scf.if %cond3A_1 {
      %broadcast_in_dim3A = arith.constant -1.000000e+00 : f32
      %broadcast_in_dim3A_60 = vector.broadcast %broadcast_in_dim3A : f32 to vector<64x128xf32>
      %swap3A = arith.constant 0 : index
      %swap3A_61 = arith.constant 0 : index
      %swap3A_62 = vector.load %arg12[%swap3A, %swap3A_61] : memref<64x128xf32, #tpu.memory_space<vmem>>, vector<64x128xf32>
      tpu.vector_store %arg12[%swap3A, %swap3A_61], %broadcast_in_dim3A_60 {strides = array<i32>} : memref<64x128xf32, #tpu.memory_space<vmem>>, vector<64x128xf32>,
    } else {
    }
    %get3A = arith.constant 0 : index
    %get3A_2 = arith.constant 0 : index
    %get3A_3 = vector.load %arg2[%get3A, %get3A_2] : memref<1000x128xf32, #tpu.memory_space<vmem>>, vector<1000x128xf32>
    %get3A_4 = arith.constant 0 : index
    %get3A_5 = arith.constant 0 : index
    %get3A_6 = vector.load %arg3[%get3A_4, %get3A_5] : memref<1000x128xf32, #tpu.memory_space<vmem>>, vector<1000x128xf32>
    %add3A = arith.addf %get3A_3, %get3A_6 : vector<1000x128xf32>
    %get3A_7 = arith.constant 0 : index
    %get3A_8 = arith.constant 0 : index
    %get3A_9 = vector.load %arg4[%get3A_7, %get3A_8] : memref<1000x1xf32, #tpu.memory_space<vmem>>, vector<1000x1xf32>
    %max3A = arith.constant 1.000000e+00 : f32
    %max3A_10 = vector.broadcast %max3A : f32 to vector<1000x1xf32>
    %max3A_11 = arith.maximumf %get3A_9, %max3A_10 : vector<1000x1xf32>
    %div3A = vector.broadcast %max3A_11 : vector<1000x1xf32> to vector<1000x128xf32>
    %div3A_12 = arith.divf %add3A, %div3A : vector<1000x128xf32>
    %get3A_13 = arith.constant 0 : index
    %get3A_14 = arith.constant 0 : index
    %get3A_15 = vector.load %arg6[%get3A_13, %get3A_14] : memref<128x128xf32, #tpu.memory_space<vmem>>, vector<128x128xf32>
    %dot_general3A = arith.constant dense<0.000000e+00> : vector<1000x128xf32>
    %dot_general3A_16 = tpu.matmul %div3A_12, %get3A_15, %dot_general3A {dimension_numbers = #tpu.dot_dimension_numbers<[1], [0], [0], [1], [0, 0, 1, 1], [], []>, transpose_lhs_hint = false} : vector<1000x128xf32>, vector<128x128xf32>, vector<1000x128xf32> -> vector<1000x128xf32>
    %get3A_17 = arith.constant 0 : index
    %get3A_18 = arith.constant 0 : index
    %get3A_19 = vector.load %arg1[%get3A_17, %get3A_18] : memref<1000x128xf32, #tpu.memory_space<vmem>>, vector<1000x128xf32>
    %get3A_20 = arith.constant 0 : index
    %get3A_21 = arith.constant 0 : index
    %get3A_22 = vector.load %arg7[%get3A_20, %get3A_21] : memref<128x128xf32, #tpu.memory_space<vmem>>, vector<128x128xf32>
    %dot_general3A_23 = arith.constant dense<0.000000e+00> : vector<1000x128xf32>
    %dot_general3A_24 = tpu.matmul %get3A_19, %get3A_22, %dot_general3A_23 {dimension_numbers = #tpu.dot_dimension_numbers<[1], [0], [0], [1], [0, 0, 1, 1], [], []>, transpose_lhs_hint = false} : vector<1000x128xf32>, vector<128x128xf32>, vector<1000x128xf32> -> vector<1000x128xf32>
    %add3A_25 = arith.addf %dot_general3A_16, %dot_general3A_24 : vector<1000x128xf32>
    %get3A_26 = arith.constant 0 : index
    %get3A_27 = arith.constant 0 : index
    %get3A_28 = vector.load %arg8[%get3A_26, %get3A_27] : memref<1x128xf32, #tpu.memory_space<vmem>>, vector<1x128xf32>
    %add3A_29 = vector.broadcast %get3A_28 : vector<1x128xf32> to vector<1000x128xf32>
    %add3A_30 = arith.addf %add3A_25, %add3A_29 : vector<1000x128xf32>
    %max3A_31 = arith.constant 0.000000e+00 : f32
    %max3A_32 = vector.broadcast %max3A_31 : f32 to vector<1000x128xf32>
    %max3A_33 = arith.maximumf %add3A_30, %max3A_32 : vector<1000x128xf32>
    %get3A_34 = arith.constant 0 : index
    %get3A_35 = arith.constant 0 : index
    %get3A_36 = vector.load %arg5[%get3A_34, %get3A_35] : memref<1000x1xi32, #tpu.memory_space<vmem>>, vector<1000x1xi32>
    %reduce_min3A = vector.shape_cast %get3A_36 : vector<1000x1xi32> to vector<1x1000x1xi32>
    %reduce_min3A_37 = arith.constant dense<2147483647> : vector<1xi32>
    %reduce_min3A_38 = vector.multi_reduction <minsi>, %reduce_min3A, %reduce_min3A_37 [1, 2] : vector<1x1000x1xi32> to vector<1xi32>
    %reduce_min3A_39 = vector.shape_cast %reduce_min3A_38 : vector<1xi32> to vector<1x1x1xi32>
    %reduce_min3A_40 = vector.extract %reduce_min3A_39[0, 0, 0] : i32 from vector<1x1x1xi32>
    %reduce_max3A = vector.shape_cast %get3A_36 : vector<1000x1xi32> to vector<1x1000x1xi32>
    %reduce_max3A_41 = arith.constant dense<-2147483648> : vector<1xi32>
    %reduce_max3A_42 = vector.multi_reduction <maxsi>, %reduce_max3A, %reduce_max3A_41 [1, 2] : vector<1x1000x1xi32> to vector<1xi32>
    %reduce_max3A_43 = vector.shape_cast %reduce_max3A_42 : vector<1xi32> to vector<1x1x1xi32>
    %reduce_max3A_44 = vector.extract %reduce_max3A_43[0, 0, 0] : i32 from vector<1x1x1xi32>
    %iota3A = tpu.iota {dimensions = array<i32: 0>} : vector<64x1xi32>
    %add3A_45 = arith.constant 1 : i32
    %add3A_46 = arith.addi %reduce_max3A_44, %add3A_45 : i32
    %while3A = arith.constant 0 : i32
    %while3A_47 = arith.subi %add3A_46, %reduce_min3A_40 : i32
    %while3A_48 = arith.addi %reduce_min3A_40, %while3A_47 : i32
    %while3A_49 = arith.constant 1 : i32
    %while3A_50 = arith.divsi %while3A_47, %while3A_49 : i32
    %while3A_51 = arith.muli %while3A_50, %while3A_49 : i32
    %while3A_52 = arith.addi %reduce_min3A_40, %while3A_51 : i32
    %while3A_53 = arith.constant 1 : i32
    scf.for %while3A_60 = %reduce_min3A_40 to %while3A_52 step %while3A_53  : i32 {
      %eq3A_61 = vector.broadcast %while3A_60 : i32 to vector<1000x1xi32>
      %eq3A_62 = arith.cmpi eq, %get3A_36, %eq3A_61 : vector<1000x1xi32>
      %jit3A = arith.constant -1.000000e+00 : f32
      %broadcast_in_dim3A = vector.shape_cast %eq3A_62 : vector<1000x1xi1> to vector<1000x1xi1>
      %broadcast_in_dim3A_63 = vector.broadcast %broadcast_in_dim3A : vector<1000x1xi1> to vector<1000x128xi1>
      %broadcast_in_dim3A_64 = vector.broadcast %jit3A : f32 to vector<1000x128xf32>
      %select_n3A = arith.select %broadcast_in_dim3A_63, %max3A_33, %broadcast_in_dim3A_64 : vector<1000x128xi1>, vector<1000x128xf32>
      %reduce_max3A_65 = arith.constant dense<0xFF800000> : vector<128xf32>
      %reduce_max3A_66 = vector.multi_reduction <maximumf>, %select_n3A, %reduce_max3A_65 [0] : vector<1000x128xf32> to vector<128xf32>
      %eq3A_67 = vector.broadcast %while3A_60 : i32 to vector<64x1xi32>
      %eq3A_68 = arith.cmpi eq, %iota3A, %eq3A_67 : vector<64x1xi32>
      %broadcast_in_dim3A_69 = vector.shape_cast %reduce_max3A_66 : vector<128xf32> to vector<1x128xf32>
      %jit3A_70 = arith.constant -1.000000e+00 : f32
      %broadcast_in_dim3A_71 = vector.shape_cast %eq3A_68 : vector<64x1xi1> to vector<64x1xi1>
      %broadcast_in_dim3A_72 = vector.broadcast %broadcast_in_dim3A_71 : vector<64x1xi1> to vector<64x128xi1>
      %broadcast_in_dim3A_73 = vector.shape_cast %broadcast_in_dim3A_69 : vector<1x128xf32> to vector<1x128xf32>
      %broadcast_in_dim3A_74 = vector.broadcast %broadcast_in_dim3A_73 : vector<1x128xf32> to vector<64x128xf32>
      %broadcast_in_dim3A_75 = vector.broadcast %jit3A_70 : f32 to vector<64x128xf32>
      %select_n3A_76 = arith.select %broadcast_in_dim3A_72, %broadcast_in_dim3A_74, %broadcast_in_dim3A_75 : vector<64x128xi1>, vector<64x128xf32>
      %get3A_77 = arith.constant 0 : index
      %get3A_78 = arith.constant 0 : index
      %get3A_79 = vector.load %arg12[%get3A_77, %get3A_78] : memref<64x128xf32, #tpu.memory_space<vmem>>, vector<64x128xf32>
      %max3A_80 = arith.maximumf %get3A_79, %select_n3A_76 : vector<64x128xf32>
      %swap3A = arith.constant 0 : index
      %swap3A_81 = arith.constant 0 : index
      %swap3A_82 = vector.load %arg12[%swap3A, %swap3A_81] : memref<64x128xf32, #tpu.memory_space<vmem>>, vector<64x128xf32>
      tpu.vector_store %arg12[%swap3A, %swap3A_81], %max3A_80 {strides = array<i32>} : memref<64x128xf32, #tpu.memory_space<vmem>>, vector<64x128xf32>,
    }
    %while3A_54 = arith.constant 1 : i32
    scf.for %while3A_60 = %while3A_52 to %while3A_48 step %while3A_54  : i32 {
      %eq3A_61 = vector.broadcast %while3A_60 : i32 to vector<1000x1xi32>
      %eq3A_62 = arith.cmpi eq, %get3A_36, %eq3A_61 : vector<1000x1xi32>
      %jit3A = arith.constant -1.000000e+00 : f32
      %broadcast_in_dim3A = vector.shape_cast %eq3A_62 : vector<1000x1xi1> to vector<1000x1xi1>
      %broadcast_in_dim3A_63 = vector.broadcast %broadcast_in_dim3A : vector<1000x1xi1> to vector<1000x128xi1>
      %broadcast_in_dim3A_64 = vector.broadcast %jit3A : f32 to vector<1000x128xf32>
      %select_n3A = arith.select %broadcast_in_dim3A_63, %max3A_33, %broadcast_in_dim3A_64 : vector<1000x128xi1>, vector<1000x128xf32>
      %reduce_max3A_65 = arith.constant dense<0xFF800000> : vector<128xf32>
      %reduce_max3A_66 = vector.multi_reduction <maximumf>, %select_n3A, %reduce_max3A_65 [0] : vector<1000x128xf32> to vector<128xf32>
      %eq3A_67 = vector.broadcast %while3A_60 : i32 to vector<64x1xi32>
      %eq3A_68 = arith.cmpi eq, %iota3A, %eq3A_67 : vector<64x1xi32>
      %broadcast_in_dim3A_69 = vector.shape_cast %reduce_max3A_66 : vector<128xf32> to vector<1x128xf32>
      %jit3A_70 = arith.constant -1.000000e+00 : f32
      %broadcast_in_dim3A_71 = vector.shape_cast %eq3A_68 : vector<64x1xi1> to vector<64x1xi1>
      %broadcast_in_dim3A_72 = vector.broadcast %broadcast_in_dim3A_71 : vector<64x1xi1> to vector<64x128xi1>
      %broadcast_in_dim3A_73 = vector.shape_cast %broadcast_in_dim3A_69 : vector<1x128xf32> to vector<1x128xf32>
      %broadcast_in_dim3A_74 = vector.broadcast %broadcast_in_dim3A_73 : vector<1x128xf32> to vector<64x128xf32>
      %broadcast_in_dim3A_75 = vector.broadcast %jit3A_70 : f32 to vector<64x128xf32>
      %select_n3A_76 = arith.select %broadcast_in_dim3A_72, %broadcast_in_dim3A_74, %broadcast_in_dim3A_75 : vector<64x128xi1>, vector<64x128xf32>
      %get3A_77 = arith.constant 0 : index
      %get3A_78 = arith.constant 0 : index
      %get3A_79 = vector.load %arg12[%get3A_77, %get3A_78] : memref<64x128xf32, #tpu.memory_space<vmem>>, vector<64x128xf32>
      %max3A_80 = arith.maximumf %get3A_79, %select_n3A_76 : vector<64x128xf32>
      %swap3A = arith.constant 0 : index
      %swap3A_81 = arith.constant 0 : index
      %swap3A_82 = vector.load %arg12[%swap3A, %swap3A_81] : memref<64x128xf32, #tpu.memory_space<vmem>>, vector<64x128xf32>
      tpu.vector_store %arg12[%swap3A, %swap3A_81], %max3A_80 {strides = array<i32>} : memref<64x128xf32, #tpu.memory_space<vmem>>, vector<64x128xf32>,
    }
    %eq3A_55 = arith.constant 9 : i32
    %eq3A_56 = arith.cmpi eq, %arg0, %eq3A_55 : i32
    %convert_element_type3A_57 = arith.extui %eq3A_56 : i1 to i32
    %cond3A_58 = arith.constant 0 : i32
    %cond3A_59 = arith.cmpi ne, %convert_element_type3A_57, %cond3A_58 : i32
    scf.if %cond3A_59 {
      %get3A_60 = arith.constant 0 : index
      %get3A_61 = arith.constant 0 : index
      %get3A_62 = vector.load %arg12[%get3A_60, %get3A_61] : memref<64x128xf32, #tpu.memory_space<vmem>>, vector<64x128xf32>
      %max3A_63 = arith.constant 0.000000e+00 : f32
      %max3A_64 = vector.broadcast %max3A_63 : f32 to vector<64x128xf32>
      %max3A_65 = arith.maximumf %get3A_62, %max3A_64 : vector<64x128xf32>
      %get3A_66 = arith.constant 0 : index
      %get3A_67 = arith.constant 0 : index
      %get3A_68 = vector.load %arg9[%get3A_66, %get3A_67] : memref<128x8xf32, #tpu.memory_space<vmem>>, vector<128x8xf32>
      %dot_general3A_69 = arith.constant dense<0.000000e+00> : vector<64x8xf32>
      %dot_general3A_70 = tpu.matmul %max3A_65, %get3A_68, %dot_general3A_69 {dimension_numbers = #tpu.dot_dimension_numbers<[1], [0], [0], [1], [0, 0, 1, 1], [], []>, transpose_lhs_hint = false} : vector<64x128xf32>, vector<128x8xf32>, vector<64x8xf32> -> vector<64x8xf32>
      %get3A_71 = arith.constant 0 : index
      %get3A_72 = arith.constant 0 : index
      %get3A_73 = vector.load %arg10[%get3A_71, %get3A_72] : memref<1x8xf32, #tpu.memory_space<vmem>>, vector<1x8xf32>
      %add3A_74 = vector.broadcast %get3A_73 : vector<1x8xf32> to vector<64x8xf32>
      %add3A_75 = arith.addf %dot_general3A_70, %add3A_74 : vector<64x8xf32>
      %reduce_max3A_76 = arith.constant dense<0xFF800000> : vector<64xf32>
      %reduce_max3A_77 = vector.multi_reduction <maximumf>, %add3A_75, %reduce_max3A_76 [1] : vector<64x8xf32> to vector<64xf32>
      %broadcast_in_dim3A = vector.shape_cast %reduce_max3A_77 : vector<64xf32> to vector<64x1xf32>
      %sub3A = vector.broadcast %broadcast_in_dim3A : vector<64x1xf32> to vector<64x8xf32>
      %sub3A_78 = arith.subf %add3A_75, %sub3A : vector<64x8xf32>
      %exp3A = math.exp %sub3A_78 : vector<64x8xf32>
      %reduce_sum3A = arith.constant dense<0.000000e+00> : vector<64xf32>
      %reduce_sum3A_79 = vector.multi_reduction <add>, %exp3A, %reduce_sum3A [1] : vector<64x8xf32> to vector<64xf32>
      %broadcast_in_dim3A_80 = vector.shape_cast %reduce_sum3A_79 : vector<64xf32> to vector<64x1xf32>
      %log3A = math.log %broadcast_in_dim3A_80 : vector<64x1xf32>
      %add3A_81 = arith.addf %log3A, %broadcast_in_dim3A : vector<64x1xf32>
      %sub3A_82 = vector.broadcast %add3A_81 : vector<64x1xf32> to vector<64x8xf32>
      %sub3A_83 = arith.subf %add3A_75, %sub3A_82 : vector<64x8xf32>
      %swap3A = arith.constant 0 : index
      %swap3A_84 = arith.constant 0 : index
      %swap3A_85 = vector.load %arg11[%swap3A, %swap3A_84] : memref<64x8xf32, #tpu.memory_space<vmem>>, vector<64x8xf32>
      tpu.vector_store %arg11[%swap3A, %swap3A_84], %sub3A_83 {strides = array<i32>} : memref<64x8xf32, #tpu.memory_space<vmem>>, vector<64x8xf32>,
    } else {
    }
    return
  }
  func.func @transform_0(%arg0: i32) -> (i32, i32) {
    %c0_i32 = arith.constant 0 : i32
    %c0_i32_0 = arith.constant 0 : i32
    return %arg0, %c0_i32 : i32, i32
  }
  func.func @transform_1(%arg0: i32) -> (i32, i32) {
    %c0_i32 = arith.constant 0 : i32
    %c0_i32_0 = arith.constant 0 : i32
    return %arg0, %c0_i32 : i32, i32
  }
  func.func @transform_2(%arg0: i32) -> (i32, i32) {
    %c0_i32 = arith.constant 0 : i32
    %c0_i32_0 = arith.constant 0 : i32
    return %arg0, %c0_i32 : i32, i32
  }
  func.func @transform_3(%arg0: i32) -> (i32, i32) {
    %c0_i32 = arith.constant 0 : i32
    %c0_i32_0 = arith.constant 0 : i32
    return %arg0, %c0_i32 : i32, i32
  }
  func.func @transform_4(%arg0: i32) -> (i32, i32) {
    %c0_i32 = arith.constant 0 : i32
    %c0_i32_0 = arith.constant 0 : i32
    return %arg0, %c0_i32 : i32, i32
  }
  func.func @transform_5(%arg0: i32) -> (i32, i32) {
    %c0_i32 = arith.constant 0 : i32
    %c0_i32_0 = arith.constant 0 : i32
    %c0_i32_1 = arith.constant 0 : i32
    return %c0_i32, %c0_i32_0 : i32, i32
  }
  func.func @transform_6(%arg0: i32) -> (i32, i32) {
    %c0_i32 = arith.constant 0 : i32
    %c0_i32_0 = arith.constant 0 : i32
    %c0_i32_1 = arith.constant 0 : i32
    return %c0_i32, %c0_i32_0 : i32, i32
  }
  func.func @transform_7(%arg0: i32) -> (i32, i32) {
    %c0_i32 = arith.constant 0 : i32
    %c0_i32_0 = arith.constant 0 : i32
    %c0_i32_1 = arith.constant 0 : i32
    return %c0_i32, %c0_i32_0 : i32, i32
  }
  func.func @transform_8(%arg0: i32) -> (i32, i32) {
    %c0_i32 = arith.constant 0 : i32
    %c0_i32_0 = arith.constant 0 : i32
    %c0_i32_1 = arith.constant 0 : i32
    return %c0_i32, %c0_i32_0 : i32, i32
  }
  func.func @transform_9(%arg0: i32) -> (i32, i32) {
    %c0_i32 = arith.constant 0 : i32
    %c0_i32_0 = arith.constant 0 : i32
    %c0_i32_1 = arith.constant 0 : i32
    return %c0_i32, %c0_i32_0 : i32, i32
  }
  func.func @transform_10(%arg0: i32) -> (i32, i32) {
    %c0_i32 = arith.constant 0 : i32
    %c0_i32_0 = arith.constant 0 : i32
    %c0_i32_1 = arith.constant 0 : i32
    return %c0_i32, %c0_i32_0 : i32, i32
  }
}

</mosaic_0001>

<sc_bundles>
// kernel: kernel.5.cloned.1.call-start
scs
__scs_entry_jumppad:
0x0: {  	(pc) =	sbr.rel $0x88, $3  }
0x1: {  	(tag) =	ssettag $0x0;
	lr =	simm.s32 $0x1  }
0x2: {  	[smem:$0x3F99] =	sst lr;
	_ =	strace $0xD0000000  }
0x3: {  	_ = 	snop  }
0x4: {  	_ = 	snop  }
0x5: {  	_ = 	snop  }
0x6: {  	_ = 	snop  }
0x7: {  	_ = 	snop  }
__scs_overlays_trampoline_lowered:
0x8: {  	[smem:$0x3FA8] =	sst s0  }
0x9: {  	[smem:$0x3FA9] =	sst s1  }
0xa: {  	[smem:$0x3FAA] =	sst s2  }
0xb: {  	[smem:$0x3FAB] =	sst s3  }
0xc: {  	[smem:$0x3FAC] =	sst s4  }
0xd: {  	[smem:$0x3FAD] =	sst s5  }
0xe: {  	[smem:$0x3FAE] =	sst s6  }
0xf: {  	[smem:$0x3FAF] =	sst s7  }
0x10: {  	[smem:$0x3FB0] =	sst s8  }
0x11: {  	[smem:$0x3FB1] =	sst s9;
	s0 =	simm.s32 @!p0 $0x0  }
0x12: {  	s1 =	sld [smem:$0x3F97];
	s0 =	simm.s32 @p0 $0x1  }
0x13: {  	[smem:$0x3FB2] =	sst s0;
	s0 =	simm.s32 @!p1 $0x0  }
0x14: {  	s2 =	sld [smem:$0x3F96];
	s0 =	simm.s32 @p1 $0x1  }
0x15: {  	[smem:$0x3FB3] =	sst s0;
	s0 =	simm.s32 @!p2 $0x0  }
0x16: {  	s3 =	sld [smem:$0x3FDB];
	s0 =	simm.s32 @p2 $0x1  }
0x17: {  	s4 =	simm.s32 $0x1BF5;
	[smem:$0x3FB5] =	sst s0  }
0x18: {  	s0 =	sld [smem:$0x3F98];
	_ =	swait.ge [sflag:s4], $0x0  }
0x19: {  	s7 =	sld [smem:$0x3F99]  }
0x1a: {  	s8 =	sadd.s32 $0xFFFFE003, lr  }
0x1b: {  	s9 =	sadd.s32 $0xFFFFFEF7, lr;
	s5 =	simm.s32 $0xFFFFFFFF;
	p2 =	slt.u32 s8, $0xFFFFF086  }
0x1c: {  	p1 =	slt.u32 s9, $0xF7A;
	s5 =	simm.s32 @!p2 $0x0  }
0x1d: {  	s5 =	simm.s32 @p1 $0x1;
	p0 =	seq.s32 s7, s2  }
0x1e: {  	s7 =	smul.u32 @!p0 $0xF7A, s2;
	p2 =	seq.s32 @!p0 s5, $0x0  }
0x1f: {  	s9 =	smul.u32 $0xF7A, s1;
	s8 =	simm.s32 @!p0 $0x1BF5;
	p2 =	por !p2, p0  }
0x20: {  	[sflag:s8] =	ssyncset.s32 @!p0 $0xFFFFF086;
	s6 =	sadd.s32 @!p0 s3, s7;
	s7 =	simm.s32 @!p0 $0x108  }
0x21: {  	s3 =	sadd.s32 s3, s9;
	s6 =	sadd.s32 @!p0 $0x88, s6;
	s7 =	simm.s32 @p2 $0x1082  }
0x22: {  	[simem:s7], [sflag:s8] =	dma.local @!p0 [hbm:s6], $0xF7A  }
0x23: {  	s9 =	sor.u32 $0xD0000000, s2;
	s6 =	simm.s32 $0x108;
	_ =	swait.ge @!p0 [sflag:s8], $0x0  }
0x24: {  	s3 =	sadd.s32 $0x88, s3;
	s6 =	simm.s32 @!p1 $0x1082;
	[sflag:s4] =	ssyncset.s32 $0xFFFFF086  }
0x25: {  	[simem:s6], [sflag:s4] =	dma.local [hbm:s3], $0xF7A  }
0x26: {  	[smem:$0x3F99] =	sst s1;
	(tag) =	ssettag s2;
	_ =	strace s9  }
0x27: {  	s1 =	sld [smem:$0x3FA9]  }
0x28: {  	s2 =	sld [smem:$0x3FAA]  }
0x29: {  	s4 =	sld [smem:$0x3FAC]  }
0x2a: {  	p0 =	seq.s32 s5, $0x0;
	s5 =	sld [smem:$0x3FAD]  }
0x2b: {  	s6 =	sld [smem:$0x3FAE]  }
0x2c: {  	s7 =	sld [smem:$0x3FAF]  }
0x2d: {  	s3 =	simm.s32 $0x108;
	s8 =	sld [smem:$0x3FB0]  }
0x2e: {  	s3 =	simm.s32 @!p0 $0x1082;
	s9 =	sld [smem:$0x3FB1]  }
0x2f: {  	lr =	sadd.s32 s0, s3;
	s0 =	sld [smem:$0x3FA8]  }
0x30: {  	s3 =	sld [smem:$0x3FAB]  }
0x31: {  	[smem:$0x3FB4] =	sst s10  }
0x32: {  	s10 =	sld [smem:$0x3FB2];
	_ =	sdelay $0x3  }
0x33: {  	p0 =	seq.s32 s10, $0x1;
	s10 =	sld [smem:$0x3FB4];
	_ =	sdelay $0x3  }
0x34: {  	[smem:$0x3FB4] =	sst s10  }
0x35: {  	s10 =	sld [smem:$0x3FB3];
	_ =	sdelay $0x3  }
0x36: {  	p1 =	seq.s32 s10, $0x1;
	s10 =	sld [smem:$0x3FB4];
	_ =	sdelay $0x3  }
0x37: {  	[smem:$0x3FB4] =	sst s10  }
0x38: {  	s10 =	sld [smem:$0x3FB5]  }
0x39: {  	_ = 	snop;
	(pc) =	sbr.ind lr, $3  }
0x3a: {  	_ = 	snop  }
0x3b: {  	_ = 	snop  }
0x3c: {  	p2 =	seq.s32 s10, $0x1;
	s10 =	sld [smem:$0x3FB4]  }
0x3d: {  	_ =	shalt  }
0x3e: {  	_ =	shalt  }
0x3f: {  	_ =	shalt  }
0x40: {  	_ =	shalt  }
0x41: {  	_ =	shalt  }
0x42: {  	_ =	shalt  }
0x43: {  	_ =	shalt  }
0x44: {  	_ =	shalt  }
0x45: {  	_ =	shalt  }
0x46: {  	_ =	shalt  }
0x47: {  	_ =	shalt  }
0x48: {  	_ =	shalt  }
0x49: {  	_ =	shalt  }
0x4a: {  	_ =	shalt  }
0x4b: {  	_ =	shalt  }
0x4c: {  	_ =	shalt  }
0x4d: {  	_ =	shalt  }
0x4e: {  	_ =	shalt  }
0x4f: {  	_ =	shalt  }
0x50: {  	_ =	shalt  }
0x51: {  	_ =	shalt  }
0x52: {  	_ =	shalt  }
0x53: {  	_ =	shalt  }
0x54: {  	_ =	shalt  }
0x55: {  	_ =	shalt  }
0x56: {  	_ =	shalt  }
0x57: {  	_ =	shalt  }
0x58: {  	_ =	shalt  }
0x59: {  	_ =	shalt  }
0x5a: {  	_ =	shalt  }
0x5b: {  	_ =	shalt  }
0x5c: {  	_ =	shalt  }
0x5d: {  	_ =	shalt  }
0x5e: {  	_ =	shalt  }
0x5f: {  	_ =	shalt  }
0x60: {  	_ =	shalt  }
0x61: {  	_ =	shalt  }
0x62: {  	_ =	shalt  }
0x63: {  	_ =	shalt  }
0x64: {  	_ =	shalt  }
0x65: {  	_ =	shalt  }
0x66: {  	_ =	shalt  }
0x67: {  	_ =	shalt  }
0x68: {  	_ =	shalt  }
0x69: {  	_ =	shalt  }
0x6a: {  	_ =	shalt  }
0x6b: {  	_ =	shalt  }
0x6c: {  	_ =	shalt  }
0x6d: {  	_ =	shalt  }
0x6e: {  	_ =	shalt  }
0x6f: {  	_ =	shalt  }
0x70: {  	_ =	shalt  }
0x71: {  	_ =	shalt  }
0x72: {  	_ =	shalt  }
0x73: {  	_ =	shalt  }
0x74: {  	_ =	shalt  }
0x75: {  	_ =	shalt  }
0x76: {  	_ =	shalt  }
0x77: {  	_ =	shalt  }
0x78: {  	_ =	shalt  }
0x79: {  	_ =	shalt  }
0x7a: {  	_ =	shalt  }
0x7b: {  	_ =	shalt  }
0x7c: {  	_ =	shalt  }
0x7d: {  	_ =	shalt  }
0x7e: {  	_ =	shalt  }
0x7f: {  	_ =	shalt  }
0x80: {  	_ =	shalt  }
0x81: {  	_ =	shalt  }
0x82: {  	_ =	shalt  }
0x83: {  	_ =	shalt  }
0x84: {  	_ =	shalt  }
0x85: {  	_ =	shalt  }
0x86: {  	_ =	shalt  }
0x87: {  	_ =	shalt  }
.Lfunc_end0:
.L_simem_size_0:
called_computation_lowered:
.L_overlay_start_0:
0x88: {  	s2 =	sld [smem:$0x3FD9]  }
0x89: {  	s3 =	sld [smem:$0x3FFE];
	_ =	sdelay $0x1  }
0x8a: {  	s1 =	srdreg.scid  }
0x8b: {  	s0 =	sand.u32 $0x1, s1  }
0x8c: {  	s17 =	sshll.u32 s0, $0xA;
	s2 =	sadd.s32 s3, s2  }
0x8d: {  	s2 =	sadd.s32 s2, s17  }
0x8e: {  	[smem:$0x3FC0] =	sst s2  }
0x8f: {  	_ = 	snop  }
0x90: {  	s2 =	sld [smem:$0x3FC9];
	(tm) =	ssettm $0x1  }
0x91: {  	s18 =	sld [smem:$0x3FFB];
	_ =	sdelay $0x3  }
0x92: {  	_ =	strace s18  }
0x93: {  	s3 =	sld [smem:$0x3FFC];
	_ =	sdelay $0x3  }
0x94: {  	_ =	strace s3  }
0x95: {  	s3 =	sld [smem:$0x3FFD];
	_ =	sdelay $0x3  }
0x96: {  	_ =	strace s3  }
0x97: {  	_ =	strace $0x8FFFFFFF  }
0x98: {  	s19 =	sld [smem:$0x3FDB];
	_ =	sdelay $0x1  }
0x99: {  	s4 =	simm.s32 $_scs_section_size  }
0x9a: {  	s5 =	simm.s32 $_size__tile_overlayer_lowered;
	s6 =	simm.s32 $_tile_overlayer_lowered  }
0x9b: {  	s22 =	simm.s32 $0x1BFF;
	s21 =	sshll.u32 s6, $0x1;
	s3 =	sadd.s32 s4, s19  }
0x9c: {  	s7 =	simm.s32 $0x0;
	s20 =	sshll.u32 s5, $0x1;
	s5 =	sadd.s32 s21, s3  }
0x9d: {  	[timem:s7], [sflag:s22] =	dma.local [hbm:s5], s20  }
0x9e: {  	_ =	swait.ge [sflag:s22], s20  }
0x9f: {  	s4 =	ssub.s32 $0x0, s20;
	[sflag:s22] =	ssyncset.done $0x0  }
0xa0: {  	[sflag:s22] =	ssyncadd.s32 s4;
	_ =	sdelay $0x1  }
0xa1: {  	s23 =	simm.s32 $0x1B8B  }
0xa2: {  	_ =	swait.ge [sflag:s23], $0x1  }
0xa3: {  	[sflag:s23] =	ssyncset.done $0x0  }
0xa4: {  	s25 =	simm.s32 $0x1B8E;
	s24 =	sld [smem:$0x3FFE];
	[sflag:s23] =	ssyncadd.s32 $0xFFFFFFFF  }
0xa5: {  	s26 =	simm.s32 $execute0_lowered;
	[smem:$0x3FD2] =	sst s25  }
0xa6: {  	s5 =	sshll.u32 s26, $0x1;
	_ =	strace $0x80000046;
	[dreg:$0x1] =	wrdreg $0xFFFFFFFF  }
0xa7: {  	s28 =	simm.s32 $_size_execute0_lowered;
	s3 =	sadd.s32 s3, s5;
	[dreg:$0x0] =	wrdreg $0x0  }
0xa8: {  	s5 =	sshll.u32 s28, $0x1;
	[dreg:$0x2] =	wrdreg s3  }
0xa9: {  	[dreg:$0x3] =	wrdreg s5  }
0xaa: {  	[dreg:$0x4] =	wrdreg $0xC0  }
0xab: {  	_ =	task [dreg:s7], $0x5FFFF  }
0xac: {  	[dreg:$0x1] =	wrdreg $0xFFFFFFFF  }
0xad: {  	[dreg:$0x0] =	wrdreg $0x60  }
0xae: {  	[dreg:$0x2] =	wrdreg s2  }
0xaf: {  	[dreg:$0x3] =	wrdreg s24  }
0xb0: {  	[dreg:$0x4] =	wrdreg $0xA4000  }
0xb1: {  	[dreg:$0x5] =	wrdreg $0x9  }
0xb2: {  	_ =	task.clear_ibuf [dreg:s7], $0x6FFFF;
	_ =	strace $0x90000046  }
0xb3: {  	s29 =	simm.s32 $0x9;
	_ =	strace $0x80000048  }
0xb4: {  	_ =	swait.ge [sflag:s29], $0x1  }
0xb5: {  	[sflag:s29] =	ssyncadd.s32 $0xFFFFFFFF  }
0xb6: {  	_ =	strace $0x90000048  }
0xb7: {  	_ =	sfence  }
0xb8: {  	s30 =	sld [smem:$0x0];
	_ =	sdelay $0x2  }
0xb9: {  	s31 =	sshll.u32 s1, $0xD;
	s1 =	sshrl.u32 s1, $0x2  }
0xba: {  	s3 =	sand.u32 $0x4000, s31;
	s1 =	sadd.s32 s1, s30  }
0xbb: {  	s0 =	sor.u32 s3, s0;
	s1 =	sshll.u32 s1, $0x11  }
0xbc: {  	s0 =	sor.u32 s1, s0  }
0xbd: {  	s0 =	sadd.s32 $0x8F2B, s0  }
0xbe: {  	[sflag:s0] =	ssyncadd.remote.s32 $0x1  }
0xbf: {  	_ =	sfence.sel $0xFFFF  }
0xc0: {  	[dreg:$0x0] =	wrdreg $0xFFFFFFFF;
	(pc) =	sbr.abs _section_cstart, $3  }
0xc1: {  	[dreg:$0x1] =	wrdreg $0xFFFFFFFF  }
0xc2: {  	_ =	task.clear_ibuf [dreg:s7], $0x2FFFF;
	_ =	strace $0x9FFFFFFF  }
0xc3: {  	(tm) =	ssettm $0x7FFFFFFF  }
tec
execute0_lowered:
.L_overlay_start_1:
0x0: {  	(tag) =	ssettag $0x1  }
0x1: {  	s1 =	rddreg [dreg:$0x0]  }
0x2: {  	s0 =	rddreg [dreg:$0x1]  }
0x3: {  	s2 =	rddreg [dreg:$0x2]  }
0x4: {  	s3 =	srdreg.scid;
	s4 =	simm.s32 $0x0;
	s12 =	stileid.u32  }
0x5: {  	s28 =	simm.s32 $0x180;
	s29 =	simm.s32 $0xA380;
	s30 =	simm.s32 $0x50  }
0x6: {  	s31 =	simm.s32 $0x200;
	s3 =	sand.u32 $0x1, s3;
	s7 =	smul.u32 $0x2780, s12  }
0x7: {  	[smem:$0x7FF] =	sst s4;
	s6 =	sadd.s32 $0x1200, s0;
	s10 =	smul.u32 $0x4F000, s12  }
0x8: {  	s14 =	sshll.u32 s12, $0x6;
	s5 =	sshll.u32 s3, $0x4;
	_ =	strace $0x80000047  }
0x9: {  	s3 =	ssub.s32 $0x2, s3;
	s8 =	sor.u32 s12, s5;
	s5 =	sadd.s32 $0xB200, s0  }
0xa: {  	s11 =	sadd.s32 s7, s0;
	s26 =	sshrl.u32 s3, $0x1;
	s9 =	smul.u32 $0x2780, s8  }
0xb: {  	s10 =	sshrl.u32 s10, $0x2;
	s12 =	simm.s32 $0x1;
	s7 =	smul.u32 $0x2800, s8  }
0xc: {  	s3 =	ssub.s32 s3, s26;
	s13 =	sadd.s32 s10, s2;
	s15 =	sadd.s32 $0x15200, s11  }
0xd: {  	s10 =	sor.u32 $0x1C04, s14;
	s11 =	simm.s32 $0x3;
	[dreg:$0x7] =	wrdreg s13  }
0xe: {  	[dreg:$0x8] =	wrdreg s15;
	s13 =	simm.s32 $0x0;
	s23 =	sor.u32 $0x50, s7  }
0xf: {  	s0 =	sadd.s32 s9, s0;
	s24 =	sor.u32 $0xA0, s7;
	[dreg:$0x4] =	wrdreg s23  }
0x10: {  	s16 =	sshrl.u32 s7, $0x3;
	s26 =	sor.u32 $0xF0, s7;
	[dreg:$0x5] =	wrdreg s24  }
0x11: {  	s17 =	sadd.s32 s5, s16;
	s18 =	sadd.s32 s6, s16;
	[dreg:$0x6] =	wrdreg s26  }
0x12: {  	s19 =	sor.u32 $0xA, s16;
	s21 =	sor.u32 $0x14, s16;
	[dreg:$0x9] =	wrdreg s17  }
0x13: {  	s8 =	sor.u32 $0x1E, s16;
	s0 =	sadd.s32 $0x3CA00, s0;
	[dreg:$0xa] =	wrdreg s18  }
0x14: {  	s23 =	simm.s32 $0x80;
	s20 =	sadd.s32 s5, s19;
	[dreg:$0x11] =	wrdreg s0  }
0x15: {  	s24 =	simm.s32 $0xA280;
	s9 =	sadd.s32 s6, s19;
	[dreg:$0xb] =	wrdreg s20  }
0x16: {  	s26 =	simm.s32 $0xA300;
	s22 =	sadd.s32 s5, s21;
	[dreg:$0xc] =	wrdreg s9  }
0x17: {  	s25 =	sadd.s32 s5, s8;
	s8 =	sadd.s32 s6, s8;
	[dreg:$0xd] =	wrdreg s22  }
0x18: {  	s0 =	simm.s32 $0x2A00;
	s9 =	sadd.s32 s6, s21;
	[dreg:$0xf] =	wrdreg s25  }
0x19: {  	[dreg:$0x10] =	wrdreg s8;
	s20 =	smax.u32 s3, $0x1;
	s21 =	simm.s32 $0x4  }
0x1a: {  	s22 =	simm.s32 $0xA200;
	s25 =	simm.s32 $0x100;
	s3 =	simm.s32 $0x5200  }
0x1b: {  	s8 =	simm.s32 $0x7A00;
	[dreg:$0xe] =	wrdreg s9;
	s9 =	simm.s32 $0x2  }
.LBB2_1:
0x1c: {  	s14 =	rddreg [dreg:$0x7]  }
0x1d: {  	s15 =	rddreg [dreg:$0x8];
	s14 =	sshrl.u32 s14, $0x3  }
0x1e: {  	[spmem:s14], [sflag:s10] =	dma.local [hbm:s15], $0x2780  }
0x1f: {  	_ =	swait.ge [sflag:s21], $0x2780  }
0x20: {  	[sflag:s21] =	ssyncset.done $0x0  }
0x21: {  	[sflag:s21] =	ssyncadd.s32 $0xFFFFD880  }
0x22: {  	[bflag:$0x0] =	sbarrier.arrive $0xFFFF  }
0x23: {  	s18 =	rddreg [dreg:$0x9]  }
0x24: {  	[tilespmem:s4], [sflag:$0x1] =	stream.linear.gather [hbm4b:s18+s4], $0x50, $0x38;
	[tilespmem:$0x1E000] =	vst v63  }
0x25: {  	s19 =	rddreg [dreg:$0xa]  }
0x26: {  	[tilespmem:s22], [sflag:$0x1] =	stream.linear.gather [hbm4b:s19+s4], $0x50, $0x38;
	[tilespmem:$0x1E000] =	vst v63  }
0x27: {  	s16 =	rddreg [dreg:$0xb]  }
0x28: {  	[tilespmem:s23], [sflag:$0x1] =	stream.linear.gather [hbm4b:s16+s4], $0x50, $0x38;
	[tilespmem:$0x1E000] =	vst v63  }
0x29: {  	s17 =	rddreg [dreg:$0xc]  }
0x2a: {  	[tilespmem:s24], [sflag:$0x1] =	stream.linear.gather [hbm4b:s17+s4], $0x50, $0x38;
	[tilespmem:$0x1E000] =	vst v63  }
0x2b: {  	s18 =	rddreg [dreg:$0xd]  }
0x2c: {  	[tilespmem:s25], [sflag:$0x1] =	stream.linear.gather [hbm4b:s18+s4], $0x50, $0x38;
	[tilespmem:$0x1E000] =	vst v63  }
0x2d: {  	s19 =	rddreg [dreg:$0xe]  }
0x2e: {  	[tilespmem:s26], [sflag:$0x1] =	stream.linear.gather [hbm4b:s19+s4], $0x50, $0x38;
	[tilespmem:$0x1E000] =	vst v63  }
0x2f: {  	s16 =	rddreg [dreg:$0xf]  }
0x30: {  	[tilespmem:s28], [sflag:$0x1] =	stream.linear.gather [hbm4b:s16+s4], $0x50, $0x38;
	[tilespmem:$0x1E000] =	vst v63  }
0x31: {  	s17 =	rddreg [dreg:$0x10]  }
0x32: {  	[tilespmem:s29], [sflag:$0x1] =	stream.linear.gather [hbm4b:s17+s4], $0x50, $0x38;
	[tilespmem:$0x1E000] =	vst v63  }
0x33: {  	_ =	swait.ge [sflag:s12], $0x50  }
0x34: {  	[sflag:s12] =	ssyncset.done $0x0  }
0x35: {  	[sflag:s12] =	ssyncadd.s32 $0xFFFFFFB0  }
0x36: {  	_ =	swait.ge [sflag:s12], $0x50  }
0x37: {  	[sflag:s12] =	ssyncset.done $0x0  }
0x38: {  	[sflag:s12] =	ssyncadd.s32 $0xFFFFFFB0  }
0x39: {  	_ =	swait.ge [sflag:s12], $0x50  }
0x3a: {  	[sflag:s12] =	ssyncset.done $0x0  }
0x3b: {  	[sflag:s12] =	ssyncadd.s32 $0xFFFFFFB0  }
0x3c: {  	_ =	swait.ge [sflag:s12], $0x50  }
0x3d: {  	[sflag:s12] =	ssyncset.done $0x0  }
0x3e: {  	[sflag:s12] =	ssyncadd.s32 $0xFFFFFFB0  }
0x3f: {  	_ =	swait.ge [sflag:s12], $0x50  }
0x40: {  	[sflag:s12] =	ssyncset.done $0x0  }
0x41: {  	[sflag:s12] =	ssyncadd.s32 $0xFFFFFFB0  }
0x42: {  	_ =	swait.ge [sflag:s12], $0x50  }
0x43: {  	[sflag:s12] =	ssyncset.done $0x0  }
0x44: {  	[sflag:s12] =	ssyncadd.s32 $0xFFFFFFB0  }
0x45: {  	_ =	swait.ge [sflag:s12], $0x50  }
0x46: {  	[sflag:s12] =	ssyncset.done $0x0  }
0x47: {  	[sflag:s12] =	ssyncadd.s32 $0xFFFFFFB0  }
0x48: {  	_ =	swait.ge [sflag:s12], $0x50  }
0x49: {  	[sflag:s12] =	ssyncset.done $0x0  }
0x4a: {  	[sflag:s12] =	ssyncadd.s32 $0xFFFFFFB0  }
0x4b: {  	[tilespmem:s31], [sflag:$0x2] =	stream.indirect.gather [hbm4b:s1+s30], $0x80, s4, s30, $0xb8;
	[tilespmem:$0x1E000] =	vst v63  }
0x4c: {  	_ = 	snop  }
0x4d: {  	[tilespmem:s0], [sflag:$0x2] =	stream.indirect.gather [hbm4b:s1+s30], $0x80, s23, s30, $0xb8;
	[tilespmem:$0x1E000] =	vst v63  }
0x4e: {  	_ = 	snop  }
0x4f: {  	[tilespmem:s3], [sflag:$0x2] =	stream.indirect.gather [hbm4b:s1+s30], $0x80, s25, s30, $0xb8;
	[tilespmem:$0x1E000] =	vst v63  }
0x50: {  	_ = 	snop  }
0x51: {  	[tilespmem:s8], [sflag:$0x2] =	stream.indirect.gather [hbm4b:s1+s30], $0x80, s28, s30, $0xb8;
	[tilespmem:$0x1E000] =	vst v63  }
0x52: {  	_ =	swait.ge [sflag:s9], $0x2800  }
0x53: {  	[sflag:s9] =	ssyncset.done $0x0  }
0x54: {  	[sflag:s9] =	ssyncadd.s32 $0xFFFFD800  }
0x55: {  	_ =	swait.ge [sflag:s9], $0x2800  }
0x56: {  	[sflag:s9] =	ssyncset.done $0x0  }
0x57: {  	[sflag:s9] =	ssyncadd.s32 $0xFFFFD800  }
0x58: {  	_ =	swait.ge [sflag:s9], $0x2800  }
0x59: {  	[sflag:s9] =	ssyncset.done $0x0  }
0x5a: {  	[sflag:s9] =	ssyncadd.s32 $0xFFFFD800  }
0x5b: {  	_ =	swait.ge [sflag:s9], $0x2800  }
0x5c: {  	[sflag:s9] =	ssyncset.done $0x0  }
0x5d: {  	[sflag:s9] =	ssyncadd.s32 $0xFFFFD800  }
0x5e: {  	[spmem:s2] =	stream.indirect.scatter.add.f32 [tilespmem:s31], [sflag:$0x3], $0x80, s22, s30, $0xb8;
	[tilespmem:$0x1E000] =	vst v63  }
0x5f: {  	_ = 	snop  }
0x60: {  	[spmem:s2] =	stream.indirect.scatter.add.f32 [tilespmem:s0], [sflag:$0x3], $0x80, s24, s30, $0xb8;
	[tilespmem:$0x1E000] =	vst v63  }
0x61: {  	_ = 	snop  }
0x62: {  	[spmem:s2] =	stream.indirect.scatter.add.f32 [tilespmem:s3], [sflag:$0x3], $0x80, s26, s30, $0xb8;
	[tilespmem:$0x1E000] =	vst v63  }
0x63: {  	_ = 	snop  }
0x64: {  	[spmem:s2] =	stream.indirect.scatter.add.f32 [tilespmem:s8], [sflag:$0x3], $0x80, s29, s30, $0xb8;
	[tilespmem:$0x1E000] =	vst v63  }
0x65: {  	_ =	swait.ge [sflag:s11], $0x2800  }
0x66: {  	[sflag:s11] =	ssyncset.done $0x0  }
0x67: {  	[sflag:s11] =	ssyncadd.s32 $0xFFFFD800  }
0x68: {  	_ =	swait.ge [sflag:s11], $0x2800  }
0x69: {  	[sflag:s11] =	ssyncset.done $0x0  }
0x6a: {  	[sflag:s11] =	ssyncadd.s32 $0xFFFFD800  }
0x6b: {  	s18 =	smin.u32 s12, $0x1F;
	_ =	swait.ge [sflag:s11], $0x2800  }
0x6c: {  	s15 =	smul.u32 $0x140, s18;
	[sflag:s11] =	ssyncset.done $0x0  }
0x6d: {  	[sflag:s11] =	ssyncadd.s32 $0xFFFFD800  }
0x6e: {  	s16 =	sadd.s32 s7, s15;
	_ =	swait.ge [sflag:s11], $0x2800  }
0x6f: {  	s16 =	sshrl.u32 s16, $0x3;
	[sflag:s11] =	ssyncset.done $0x0;
	s17 =	rddreg [dreg:$0x4]  }
0x70: {  	s18 =	sadd.s32 s5, s16;
	[sflag:s11] =	ssyncadd.s32 $0xFFFFD800;
	s17 =	sadd.s32 s15, s17  }
0x71: {  	[tilespmem:s4], [sflag:$0x1] =	stream.linear.gather [hbm4b:s18+s4], $0x50, $0x38;
	[tilespmem:$0x1E000] =	vst v63  }
0x72: {  	s16 =	sadd.s32 s6, s16;
	s18 =	rddreg [dreg:$0x5];
	s19 =	sshrl.u32 s17, $0x3  }
0x73: {  	[tilespmem:s22], [sflag:$0x1] =	stream.linear.gather [hbm4b:s16+s4], $0x50, $0x38;
	[tilespmem:$0x1E000] =	vst v63  }
0x74: {  	s17 =	sadd.s32 s5, s19;
	s18 =	sadd.s32 s15, s18  }
0x75: {  	[tilespmem:s23], [sflag:$0x1] =	stream.linear.gather [hbm4b:s17+s4], $0x50, $0x38;
	[tilespmem:$0x1E000] =	vst v63  }
0x76: {  	s16 =	sadd.s32 s6, s19;
	s17 =	sshrl.u32 s18, $0x3;
	s18 =	rddreg [dreg:$0x6]  }
0x77: {  	[tilespmem:s24], [sflag:$0x1] =	stream.linear.gather [hbm4b:s16+s4], $0x50, $0x38;
	[tilespmem:$0x1E000] =	vst v63  }
0x78: {  	s19 =	sadd.s32 s5, s17;
	s15 =	sadd.s32 s15, s18  }
0x79: {  	[tilespmem:s25], [sflag:$0x1] =	stream.linear.gather [hbm4b:s19+s4], $0x50, $0x38;
	[tilespmem:$0x1E000] =	vst v63  }
0x7a: {  	s18 =	sadd.s32 s6, s17;
	s15 =	sshrl.u32 s15, $0x3  }
0x7b: {  	[tilespmem:s26], [sflag:$0x1] =	stream.linear.gather [hbm4b:s18+s4], $0x50, $0x38;
	[tilespmem:$0x1E000] =	vst v63  }
0x7c: {  	s19 =	sadd.s32 s5, s15  }
0x7d: {  	[tilespmem:s28], [sflag:$0x1] =	stream.linear.gather [hbm4b:s19+s4], $0x50, $0x38;
	[tilespmem:$0x1E000] =	vst v63  }
0x7e: {  	s15 =	sadd.s32 s6, s15  }
0x7f: {  	[tilespmem:s29], [sflag:$0x1] =	stream.linear.gather [hbm4b:s15+s4], $0x50, $0x38;
	[tilespmem:$0x1E000] =	vst v63  }
0x80: {  	_ =	swait.ge [sflag:s12], $0x50  }
0x81: {  	[sflag:s12] =	ssyncset.done $0x0  }
0x82: {  	[sflag:s12] =	ssyncadd.s32 $0xFFFFFFB0  }
0x83: {  	_ =	swait.ge [sflag:s12], $0x50  }
0x84: {  	[sflag:s12] =	ssyncset.done $0x0  }
0x85: {  	[sflag:s12] =	ssyncadd.s32 $0xFFFFFFB0  }
0x86: {  	_ =	swait.ge [sflag:s12], $0x50  }
0x87: {  	[sflag:s12] =	ssyncset.done $0x0  }
0x88: {  	[sflag:s12] =	ssyncadd.s32 $0xFFFFFFB0  }
0x89: {  	_ =	swait.ge [sflag:s12], $0x50  }
0x8a: {  	[sflag:s12] =	ssyncset.done $0x0  }
0x8b: {  	[sflag:s12] =	ssyncadd.s32 $0xFFFFFFB0  }
0x8c: {  	_ =	swait.ge [sflag:s12], $0x50  }
0x8d: {  	[sflag:s12] =	ssyncset.done $0x0  }
0x8e: {  	[sflag:s12] =	ssyncadd.s32 $0xFFFFFFB0  }
0x8f: {  	_ =	swait.ge [sflag:s12], $0x50  }
0x90: {  	[sflag:s12] =	ssyncset.done $0x0  }
0x91: {  	[sflag:s12] =	ssyncadd.s32 $0xFFFFFFB0  }
0x92: {  	_ =	swait.ge [sflag:s12], $0x50  }
0x93: {  	[sflag:s12] =	ssyncset.done $0x0  }
0x94: {  	s15 =	simm.s32 $0x2;
	[sflag:s12] =	ssyncadd.s32 $0xFFFFFFB0  }
.LBB2_2:
0x95: {  	_ =	swait.ge [sflag:s12], $0x50  }
0x96: {  	[sflag:s12] =	ssyncset.done $0x0  }
0x97: {  	[sflag:s12] =	ssyncadd.s32 $0xFFFFFFB0  }
0x98: {  	[tilespmem:s31], [sflag:$0x2] =	stream.indirect.gather [hbm4b:s1+s30], $0x80, s4, s30, $0xb8;
	[tilespmem:$0x1E000] =	vst v63  }
0x99: {  	_ = 	snop  }
0x9a: {  	[tilespmem:s0], [sflag:$0x2] =	stream.indirect.gather [hbm4b:s1+s30], $0x80, s23, s30, $0xb8;
	[tilespmem:$0x1E000] =	vst v63  }
0x9b: {  	_ = 	snop  }
0x9c: {  	[tilespmem:s3], [sflag:$0x2] =	stream.indirect.gather [hbm4b:s1+s30], $0x80, s25, s30, $0xb8;
	[tilespmem:$0x1E000] =	vst v63  }
0x9d: {  	_ = 	snop  }
0x9e: {  	[tilespmem:s8], [sflag:$0x2] =	stream.indirect.gather [hbm4b:s1+s30], $0x80, s28, s30, $0xb8;
	[tilespmem:$0x1E000] =	vst v63  }
0x9f: {  	_ =	swait.ge [sflag:s9], $0x2800  }
0xa0: {  	[sflag:s9] =	ssyncset.done $0x0  }
0xa1: {  	[sflag:s9] =	ssyncadd.s32 $0xFFFFD800  }
0xa2: {  	_ =	swait.ge [sflag:s9], $0x2800  }
0xa3: {  	[sflag:s9] =	ssyncset.done $0x0  }
0xa4: {  	[sflag:s9] =	ssyncadd.s32 $0xFFFFD800  }
0xa5: {  	_ =	swait.ge [sflag:s9], $0x2800  }
0xa6: {  	[sflag:s9] =	ssyncset.done $0x0  }
0xa7: {  	[sflag:s9] =	ssyncadd.s32 $0xFFFFD800  }
0xa8: {  	_ =	swait.ge [sflag:s9], $0x2800  }
0xa9: {  	[sflag:s9] =	ssyncset.done $0x0  }
0xaa: {  	[sflag:s9] =	ssyncadd.s32 $0xFFFFD800  }
0xab: {  	[spmem:s2] =	stream.indirect.scatter.add.f32 [tilespmem:s31], [sflag:$0x3], $0x80, s22, s30, $0xb8;
	[tilespmem:$0x1E000] =	vst v63  }
0xac: {  	_ = 	snop  }
0xad: {  	[spmem:s2] =	stream.indirect.scatter.add.f32 [tilespmem:s0], [sflag:$0x3], $0x80, s24, s30, $0xb8;
	[tilespmem:$0x1E000] =	vst v63  }
0xae: {  	_ = 	snop  }
0xaf: {  	[spmem:s2] =	stream.indirect.scatter.add.f32 [tilespmem:s3], [sflag:$0x3], $0x80, s26, s30, $0xb8;
	[tilespmem:$0x1E000] =	vst v63  }
0xb0: {  	_ = 	snop  }
0xb1: {  	[spmem:s2] =	stream.indirect.scatter.add.f32 [tilespmem:s8], [sflag:$0x3], $0x80, s29, s30, $0xb8;
	[tilespmem:$0x1E000] =	vst v63  }
0xb2: {  	_ =	swait.ge [sflag:s11], $0x2800  }
0xb3: {  	[sflag:s11] =	ssyncset.done $0x0  }
0xb4: {  	[sflag:s11] =	ssyncadd.s32 $0xFFFFD800  }
0xb5: {  	_ =	swait.ge [sflag:s11], $0x2800  }
0xb6: {  	[sflag:s11] =	ssyncset.done $0x0  }
0xb7: {  	s16 =	smov.u32 s15;
	[sflag:s11] =	ssyncadd.s32 $0xFFFFD800  }
0xb8: {  	s16 =	smin.u32 s16, $0x1F;
	_ =	swait.ge [sflag:s11], $0x2800  }
0xb9: {  	s16 =	smul.u32 $0x140, s16;
	[sflag:s11] =	ssyncset.done $0x0  }
0xba: {  	[sflag:s11] =	ssyncadd.s32 $0xFFFFD800  }
0xbb: {  	s17 =	sadd.s32 s7, s16;
	_ =	swait.ge [sflag:s11], $0x2800  }
0xbc: {  	s17 =	sshrl.u32 s17, $0x3;
	[sflag:s11] =	ssyncset.done $0x0  }
0xbd: {  	s19 =	sadd.s32 s5, s17;
	s18 =	rddreg [dreg:$0x4];
	[sflag:s11] =	ssyncadd.s32 $0xFFFFD800  }
0xbe: {  	[tilespmem:s4], [sflag:$0x1] =	stream.linear.gather [hbm4b:s19+s4], $0x50, $0x38;
	[tilespmem:$0x1E000] =	vst v63  }
0xbf: {  	s17 =	sadd.s32 s6, s17;
	s18 =	sadd.s32 s16, s18  }
0xc0: {  	[tilespmem:s22], [sflag:$0x1] =	stream.linear.gather [hbm4b:s17+s4], $0x50, $0x38;
	[tilespmem:$0x1E000] =	vst v63  }
0xc1: {  	s19 =	rddreg [dreg:$0x5];
	s17 =	sshrl.u32 s18, $0x3  }
0xc2: {  	s19 =	sadd.s32 s16, s19;
	s18 =	sadd.s32 s5, s17  }
0xc3: {  	[tilespmem:s23], [sflag:$0x1] =	stream.linear.gather [hbm4b:s18+s4], $0x50, $0x38;
	[tilespmem:$0x1E000] =	vst v63  }
0xc4: {  	s17 =	sadd.s32 s6, s17;
	s18 =	sshrl.u32 s19, $0x3;
	s19 =	rddreg [dreg:$0x6]  }
0xc5: {  	[tilespmem:s24], [sflag:$0x1] =	stream.linear.gather [hbm4b:s17+s4], $0x50, $0x38;
	[tilespmem:$0x1E000] =	vst v63  }
0xc6: {  	s16 =	sadd.s32 s16, s19;
	s17 =	sadd.s32 s5, s18  }
0xc7: {  	[tilespmem:s25], [sflag:$0x1] =	stream.linear.gather [hbm4b:s17+s4], $0x50, $0x38;
	[tilespmem:$0x1E000] =	vst v63  }
0xc8: {  	s18 =	sadd.s32 s6, s18;
	s16 =	sshrl.u32 s16, $0x3  }
0xc9: {  	[tilespmem:s26], [sflag:$0x1] =	stream.linear.gather [hbm4b:s18+s4], $0x50, $0x38;
	[tilespmem:$0x1E000] =	vst v63  }
0xca: {  	s19 =	sadd.s32 s5, s16  }
0xcb: {  	[tilespmem:s28], [sflag:$0x1] =	stream.linear.gather [hbm4b:s19+s4], $0x50, $0x38;
	[tilespmem:$0x1E000] =	vst v63  }
0xcc: {  	s16 =	sadd.s32 s6, s16  }
0xcd: {  	[tilespmem:s29], [sflag:$0x1] =	stream.linear.gather [hbm4b:s16+s4], $0x50, $0x38;
	[tilespmem:$0x1E000] =	vst v63  }
0xce: {  	_ =	swait.ge [sflag:s12], $0x50  }
0xcf: {  	[sflag:s12] =	ssyncset.done $0x0  }
0xd0: {  	[sflag:s12] =	ssyncadd.s32 $0xFFFFFFB0  }
0xd1: {  	_ =	swait.ge [sflag:s12], $0x50  }
0xd2: {  	[sflag:s12] =	ssyncset.done $0x0  }
0xd3: {  	[sflag:s12] =	ssyncadd.s32 $0xFFFFFFB0  }
0xd4: {  	_ =	swait.ge [sflag:s12], $0x50  }
0xd5: {  	[sflag:s12] =	ssyncset.done $0x0  }
0xd6: {  	[sflag:s12] =	ssyncadd.s32 $0xFFFFFFB0  }
0xd7: {  	_ =	swait.ge [sflag:s12], $0x50  }
0xd8: {  	[sflag:s12] =	ssyncset.done $0x0  }
0xd9: {  	[sflag:s12] =	ssyncadd.s32 $0xFFFFFFB0  }
0xda: {  	_ =	swait.ge [sflag:s12], $0x50  }
0xdb: {  	[sflag:s12] =	ssyncset.done $0x0  }
0xdc: {  	[sflag:s12] =	ssyncadd.s32 $0xFFFFFFB0  }
0xdd: {  	p0 =	sne.s32 s15, $0x20;
	_ =	swait.ge [sflag:s12], $0x50  }
.Ltmp0:
0xde: {  	[sflag:s12] =	ssyncset.done $0x0;
	(pc) =	sbr.rel @p0 .LBB2_2-.Ltmp0, $4  }
0xdf: {  	[sflag:s12] =	ssyncadd.s32 $0xFFFFFFB0  }
0xe0: {  	_ =	swait.ge [sflag:s12], $0x50  }
0xe1: {  	[sflag:s12] =	ssyncset.done $0x0  }
0xe2: {  	s15 =	sadd.s32 $0x1, s15;
	[sflag:s12] =	ssyncadd.s32 $0xFFFFFFB0  }
0xe3: {  	_ =	swait.ge [sflag:s12], $0x50  }
0xe4: {  	[sflag:s12] =	ssyncset.done $0x0  }
0xe5: {  	s13 =	sadd.s32 $0x1, s13;
	[sflag:s12] =	ssyncadd.s32 $0xFFFFFFB0  }
0xe6: {  	p0 =	sne.s32 s13, s20;
	[bflag:$0x0] =	sbarrier.arrive $0xFFFF  }
.Ltmp1:
0xe7: {  	s15 =	rddreg [dreg:$0x11];
	(pc) =	sbr.rel @p0 .LBB2_1-.Ltmp1, $4  }
0xe8: {  	[hbm:s15], [sflag:s10] =	dma.local [spmem:s14], $0x2780  }
0xe9: {  	_ =	swait.ge [sflag:s21], $0x2780  }
0xea: {  	[sflag:s21] =	ssyncset.done $0x0  }
0xeb: {  	[sflag:s21] =	ssyncadd.s32 $0xFFFFD880  }
0xec: {  	_ =	sfence.sel $0x180000  }
0xed: {  	[bflag:$0x0] =	sbarrier.arrive $0xFFFF  }
0xee: {  	_ =	strace $0x90000047  }
0xef: {  	s0 =	stileid.u32;
	[bflag:$0x2] =	sbarrier.arrive $0xFFFF  }
0xf0: {  	p0 =	sne.s32 s0, $0x0;
	s0 =	rddreg [dreg:$0x3]  }
0xf1: {  	s0 =	sadd.s32 @!p0 $0x100000, s0  }
0xf2: {  	[sflag:s0] =	ssyncadd.tile.s32 @!p0 $0x1;
	_ =	shalt  }
.Lfunc_end2:
_tile_overlayer_lowered:
.L_overlay_start_2:
0xf3: {  	(tag) =	ssettag $0x2  }
0xf4: {  	s0 =	rddreg [dreg:$0x0];
	s2 =	stileid.u32  }
0xf5: {  	s1 =	rddreg [dreg:$0x1];
	p0 =	sne.s32 s2, $0x0  }
0xf6: {  	s3 =	rddreg [dreg:$0x2];
	[bflag:$0x3] =	sbarrier.arrive $0xFFFF;
	s2 =	simm.s32 @!p0 $0x1C04  }
0xf7: {  	[timem:s3], [sflag:s2] =	dma.local @!p0 [hbm:s0], s1  }
0xf8: {  	s0 =	simm.s32 @!p0 $0x4  }
0xf9: {  	_ =	swait.ge @!p0 [sflag:s0], s1  }
0xfa: {  	s1 =	ssub.s32 @!p0 $0x0, s1;
	[sflag:s0] =	ssyncset.done @!p0 $0x0  }
0xfb: {  	[sflag:s0] =	ssyncadd.s32 @!p0 s1  }
0xfc: {  	[bflag:$0x3] =	sbarrier.arrive $0xFFFF  }
0xfd: {  	_ =	shalt  }

</sc_bundles>
